<compile_context>
chip_gen: v7x
topology: tpu7x:2x2x1
jax: 0.10.2.dev20260603
libtpu: 0.0.44.dev20260713+nightly
codegen_flags: <defaults>
</compile_context>

<pallas_src>
import functools

import jax
import jax.numpy as jnp
from jax import lax
from jax.experimental import pallas as pl
from jax.experimental.pallas import tpu as pltpu
from jax.experimental.pallas import tpu_sc as plsc

_INF_BITS = 0x7F800000
_LO_BITS = 0x3F000001
_HI_BITS = 0x3F800000


def _prelude_kernel(tf_ref, freq_ref, ctx_ref, wctx_ref, bctx_ref, wt_ref,
                    bt_ref, w1c_ref, w1t_ref, b1_ref, bias_ref):
    ctx = ctx_ref[0]
    m = jnp.mean(ctx, axis=0, keepdims=True)
    ctx_bn = jnp.dot(m, wctx_ref[...],
                     preferred_element_type=jnp.float32) + bctx_ref[...]
    targs = tf_ref[0] * freq_ref[...]
    emb = jnp.concatenate([jnp.sin(targs), jnp.cos(targs)], axis=1)
    t_emb = jnp.dot(emb, wt_ref[...],
                    preferred_element_type=jnp.float32) + bt_ref[...]
    bias = (b1_ref[...]
            + jnp.dot(ctx_bn, w1c_ref[...], preferred_element_type=jnp.float32)
            + jnp.dot(t_emb, w1t_ref[...], preferred_element_type=jnp.float32))
    bias_ref[0] = bias


def _score_kernel(bias_ref, b2_ref, x_ref, rare_ref, w1tok_ref, w2_ref,
                  scores_ref, bits_ref, *, B):
    w1tok = w1tok_ref[...]
    w2 = w2_ref[...]
    rows = []
    for b in range(B):
        x = x_ref[b]
        g = jnp.dot(x, w1tok,
                    preferred_element_type=jnp.float32) + bias_ref[b]
        h = jnp.maximum(g, 0.0)
        logits = lax.dot_general(w2, h, (((1,), (1,)), ((), ())),
                                 preferred_element_type=jnp.float32)
        rows.append(logits + b2_ref[...])
    scores = jax.nn.sigmoid(jnp.concatenate(rows, axis=0))
    scores_ref[...] = scores
    skip = jnp.logical_and(scores > 0.5, rare_ref[...] == 0)
    bits_ref[...] = jnp.where(skip,
                              lax.bitcast_convert_type(scores, jnp.int32),
                              jnp.int32(_INF_BITS))


def _sc_floor(bits, *, min_active):
    B, N = bits.shape
    NV = N // 16
    U = 4

    @functools.partial(
        pl.kernel,
        out_type=jax.ShapeDtypeStruct((B, N), jnp.int32),
        mesh=plsc.VectorSubcoreMesh(core_axis_name="c", subcore_axis_name="s"),
        compiler_params=pltpu.CompilerParams(needs_layout_passes=False),
        scratch_types=[
            pltpu.VMEM((N,), jnp.int32),
            pltpu.VMEM((N,), jnp.int32),
        ],
    )
    def run(bits_hbm, out_hbm, b_v, k_v):
        wid = lax.axis_index("s") * 2 + lax.axis_index("c")

        def popc(mask):
            return plsc.all_reduce_population_count(mask)

        iota = lax.iota(jnp.int32, 16)

        def search_and_select(deficit):
            def count_le(vmax):
                def body(i, acc):
                    for u in range(U):
                        v = b_v[pl.ds((i * U + u) * 16, 16)]
                        acc = acc + popc(v <= vmax)
                    return acc
                return lax.fori_loop(0, NV // U, body,
                                     jnp.zeros((16,), jnp.int32))

            def bs(_, carry):
                lo, hi = carry
                mid = (lo + hi) >> 1
                ge = count_le(mid) >= deficit
                return (jnp.where(ge, lo, mid + 1), jnp.where(ge, mid, hi))

            lo0 = jnp.full((16,), _LO_BITS, jnp.int32)
            hi0 = jnp.full((16,), _HI_BITS, jnp.int32)
            _, tau = lax.fori_loop(0, 24, bs, (lo0, hi0))

            num_lt = count_le(tau - 1)
            need_eq = deficit - num_lt

            def jcount(jv):
                def body(i, acc):
                    for u in range(U):
                        base = (i * U + u) * 16
                        v = b_v[pl.ds(base, 16)]
                        m = jnp.logical_and(v == tau, iota + base <= jv)
                        acc = acc + popc(m)
                    return acc
                return lax.fori_loop(0, NV // U, body,
                                     jnp.zeros((16,), jnp.int32))

            def js(_, carry):
                lo2, hi2 = carry
                mid = (lo2 + hi2) >> 1
                ge = jcount(mid) >= need_eq
                return (jnp.where(ge, lo2, mid + 1), jnp.where(ge, mid, hi2))

            _, jbound = lax.fori_loop(
                0, 14, js,
                (jnp.zeros((16,), jnp.int32),
                 jnp.full((16,), N - 1, jnp.int32)))

            eq_on = jnp.where(need_eq > 0, jnp.int32(1), jnp.int32(0))

            def selp(i, carry):
                for u in range(U):
                    base = (i * U + u) * 16
                    sl = pl.ds(base, 16)
                    v = b_v[sl]
                    kv = k_v[sl]
                    sel_eq = jnp.logical_and(
                        v == tau,
                        jnp.logical_and(iota + base <= jbound, eq_on == 1))
                    sel = jnp.logical_or(v < tau, sel_eq)
                    k_v[sl] = jnp.where(sel, 0, kv)
                return carry

            lax.fori_loop(0, NV // U, selp, jnp.int32(0))

        @pl.when(wid < B)
        def _():
            pltpu.sync_copy(bits_hbm.at[wid], b_v)

            def act_body(i, acc):
                for u in range(U):
                    sl = pl.ds((i * U + u) * 16, 16)
                    bv = b_v[sl]
                    inf = bv == jnp.int32(_INF_BITS)
                    k_v[sl] = jnp.where(inf, 0, 1)
                    acc = acc + popc(inf)
                return acc

            active = lax.fori_loop(0, NV // U, act_body,
                                   jnp.zeros((16,), jnp.int32))
            deficit_s = jnp.maximum(jnp.int32(min_active) - active[0], 0)

            @pl.when(deficit_s > 0)
            def _():
                search_and_select(jnp.full((16,), deficit_s, jnp.int32))

            pltpu.sync_copy(k_v, out_hbm.at[wid])

    return run(bits)

def kernel(tokens, ctx_C, t, rare_mask, freq, W_ctx, b_ctx, W_t, b_t,
           W1, b1, W2, b2):
    B, N, D = tokens.shape
    NC = ctx_C.shape[1]
    half = freq.shape[0]
    Dq = W_ctx.shape[0]
    H = W1.shape[0]
    min_active = max(1, int(N * 0.2))
    BN = 1024
    NB = N // BN

    tf = t.astype(jnp.float32).reshape(B, 1, 1)
    freq_r = freq.reshape(1, half)
    W_ctx_T = W_ctx.T
    b_ctx_r = b_ctx.reshape(1, Dq)
    W_t_T = W_t.T
    b_t_r = b_t.reshape(1, D)
    W1_T = W1.T
    W1_tok_T = W1_T[:D]
    W1_ctx_T = W1_T[D:D + Dq]
    W1_t_T = W1_T[D + Dq:]
    b1_r = b1.reshape(1, H)
    b2_r = b2.reshape(1, 1)
    rare_i32 = rare_mask.astype(jnp.int32)

    bias = pl.pallas_call(
        _prelude_kernel,
        grid=(B,),
        in_specs=[
            pl.BlockSpec((1, 1, 1), lambda b: (b, 0, 0)),
            pl.BlockSpec((1, half), lambda b: (0, 0)),
            pl.BlockSpec((1, NC, D), lambda b: (b, 0, 0)),
            pl.BlockSpec((D, Dq), lambda b: (0, 0)),
            pl.BlockSpec((1, Dq), lambda b: (0, 0)),
            pl.BlockSpec((D, D), lambda b: (0, 0)),
            pl.BlockSpec((1, D), lambda b: (0, 0)),
            pl.BlockSpec((Dq, H), lambda b: (0, 0)),
            pl.BlockSpec((D, H), lambda b: (0, 0)),
            pl.BlockSpec((1, H), lambda b: (0, 0)),
        ],
        out_specs=pl.BlockSpec((1, 1, H), lambda b: (b, 0, 0)),
        out_shape=jax.ShapeDtypeStruct((B, 1, H), jnp.float32),
    )(tf, freq_r, ctx_C, W_ctx_T, b_ctx_r, W_t_T, b_t_r,
      W1_ctx_T, W1_t_T, b1_r)

    scores, bits = pl.pallas_call(
        functools.partial(_score_kernel, B=B),
        grid=(NB,),
        in_specs=[
            pl.BlockSpec((B, 1, H), lambda i: (0, 0, 0)),
            pl.BlockSpec((1, 1), lambda i: (0, 0)),
            pl.BlockSpec((B, BN, D), lambda i: (0, i, 0)),
            pl.BlockSpec((B, BN), lambda i: (0, i)),
            pl.BlockSpec((D, H), lambda i: (0, 0)),
            pl.BlockSpec((1, H), lambda i: (0, 0)),
        ],
        out_specs=[
            pl.BlockSpec((B, BN), lambda i: (0, i)),
            pl.BlockSpec((B, BN), lambda i: (0, i)),
        ],
        out_shape=[
            jax.ShapeDtypeStruct((B, N), jnp.float32),
            jax.ShapeDtypeStruct((B, N), jnp.int32),
        ],
    )(bias, b2_r, tokens, rare_i32, W1_tok_T, W2)

    skip = _sc_floor(bits, min_active=min_active)
    return skip.astype(jnp.bool_), scores

# --- scband reference (transcript-rebuilt; emitter-appended) ---
"""Pipeline reference for scband-learned-skip-predictor-78288663872348 (READ-ONLY COPY).

The authoritative reference and input builder live on the scoring server;
editing this copy changes nothing except your own understanding.
"""

import jax, jax.numpy as jnp
import numpy as np
import math


def setup_inputs(seed: int = 0) -> dict:
    key = jax.random.key(seed)
    ks = jax.random.split(key, 8)
    B, N, NC, D = 4, 8192, 2048, 768
    half = D // 2
    in_dim = D + D // 4 + D
    tokens = jax.random.normal(ks[0], (B, N, D), dtype=jnp.float32)
    ctx_C = jax.random.normal(ks[1], (B, NC, D), dtype=jnp.float32)
    t = jax.random.randint(ks[2], (B,), 0, 1000)
    rare_mask = jax.random.randint(ks[3], (B, N), 0, 2).astype(bool)
    freq = jnp.exp(-math.log(10000.0) * jnp.arange(half, dtype=jnp.float32) / max(half - 1, 1))
    W_ctx = jax.random.normal(ks[4], (D // 4, D), dtype=jnp.float32) / np.sqrt(D)
    b_ctx = jnp.zeros((D // 4,), dtype=jnp.float32)
    W_t = jax.random.normal(ks[5], (D, D), dtype=jnp.float32) / np.sqrt(D)
    b_t = jnp.zeros((D,), dtype=jnp.float32)
    W1 = jax.random.normal(ks[6], (D // 2, in_dim), dtype=jnp.float32) / np.sqrt(in_dim)
    b1 = jnp.zeros((D // 2,), dtype=jnp.float32)
    W2 = jax.random.normal(ks[7], (1, D // 2), dtype=jnp.float32) * 0.5
    b2 = jnp.zeros((1,), dtype=jnp.float32)
    return {"tokens": tokens, "ctx_C": ctx_C, "t": t, "rare_mask": rare_mask,
            "freq": freq, "W_ctx": W_ctx, "b_ctx": b_ctx, "W_t": W_t, "b_t": b_t,
            "W1": W1, "b1": b1, "W2": W2, "b2": b2}


def reference(tokens, ctx_C, t, rare_mask, freq, W_ctx, b_ctx, W_t, b_t, W1, b1, W2, b2):
    B, N, D = tokens.shape
    # context bottleneck
    ctx_mean = jnp.mean(ctx_C, axis=1)
    ctx_bn = ctx_mean @ W_ctx.T + b_ctx
    ctx_bn = jnp.broadcast_to(ctx_bn[:, None, :], (B, N, D // 4))
    # sinusoidal timestep embedding + projection
    args = t.astype(jnp.float32)[:, None] * freq[None, :]
    emb = jnp.concatenate([jnp.sin(args), jnp.cos(args)], axis=-1)
    t_emb = emb @ W_t.T + b_t
    t_emb = jnp.broadcast_to(t_emb[:, None, :], (B, N, D))
    # 2-layer MLP -> per-token skip score
    mlp_in = jnp.concatenate([tokens, ctx_bn, t_emb], axis=-1)
    h = jax.nn.relu(mlp_in @ W1.T + b1)
    logits = (h @ W2.T + b2)[..., 0]
    scores = jax.nn.sigmoid(logits)
    # inference-mode hard threshold + rare-category exceptions
    skip = (scores > 0.5) & (~rare_mask)
    # enforce 20% minimum-active floor per batch element
    min_active = max(1, int(N * 0.2))
    for b in range(B):
        active = jnp.sum(~skip[b])
        deficit = jnp.maximum(min_active - active, 0)
        masked = jnp.where(skip[b], scores[b], jnp.inf)
        _, low = jax.lax.top_k(-masked, min_active)
        ranks = jnp.arange(min_active)
        vals = jnp.where(ranks < deficit, False, skip[b][low])
        skip = skip.at[b, low].set(vals)
    return skip, scores

if __name__ == "__main__":
    import jax
    _d = setup_inputs()
    print(jax.jit(kernel)(*tuple(_d.values())))

</pallas_src>

<mosaic_0001>
#map = affine_map<(d0, d1) -> (0, 0)>
module attributes {stable_mosaic.version = 14 : i64} {
  func.func @run(%arg0: i32, %arg1: i32, %arg2: memref<4x8192xi32, #tpu.memory_space<hbm>>, %arg3: memref<4x8192xi32, #tpu.memory_space<hbm>>, %arg4: memref<8192xi32, #tpu.memory_space<vmem>>, %arg5: memref<8192xi32, #tpu.memory_space<vmem>>) attributes {dimension_semantics = [#tpu.dimension_semantics<core_parallel>, #tpu.dimension_semantics<subcore_parallel>], iteration_bounds = array<i64: 2, 16>, scalar_prefetch = 0 : i64, scratch_operands = 2 : i64, tpu.core_type = #tpu.core_type<sc_vector_subcore>, window_params = [{transform_indices = #map}, {transform_indices = #map}]} {
    %mul3A = arith.constant 2 : i32
    %mul3A_0 = arith.muli %arg1, %mul3A : i32
    %add3A = arith.addi %mul3A_0, %arg0 : i32
    %iota3A = tpu.iota {dimensions = array<i32: 0>} : vector<16xi32>
    %lt3A = arith.constant 4 : i32
    %lt3A_1 = arith.cmpi slt, %add3A, %lt3A : i32
    %convert_element_type3A = arith.extui %lt3A_1 : i1 to i32
    %cond3A = arith.constant 0 : i32
    %cond3A_2 = arith.cmpi ne, %convert_element_type3A, %cond3A : i32
    scf.if %cond3A_2 {
      "tpu.region"() ({
        %run_scoped3A = tpu.sem_alloc : memref<!tpu.dma_semaphore, #tpu.memory_space<semaphore_mem>>
        %dma_start3A = arith.constant 0 : i32
        %dma_start3A_15 = tpu.memref_slice %arg2[%add3A, %dma_start3A] : memref<4x8192xi32, #tpu.memory_space<hbm>> -> memref<1x8192xi32, #tpu.memory_space<hbm>>
        %dma_start3A_16 = tpu.memref_squeeze %dma_start3A_15 : memref<1x8192xi32, #tpu.memory_space<hbm>> -> memref<8192xi32, #tpu.memory_space<hbm>>
        %dma_start3A_17 = arith.constant 0 : i32
        %dma_start3A_18 = tpu.memref_slice %arg2[%add3A, %dma_start3A_17] : memref<4x8192xi32, #tpu.memory_space<hbm>> -> memref<1x8192xi32, #tpu.memory_space<hbm>>
        %dma_start3A_19 = tpu.memref_squeeze %dma_start3A_18 : memref<1x8192xi32, #tpu.memory_space<hbm>> -> memref<8192xi32, #tpu.memory_space<hbm>>
        tpu.enqueue_dma source(%dma_start3A_19 : memref<8192xi32, #tpu.memory_space<hbm>>) target(%arg4 : memref<8192xi32, #tpu.memory_space<vmem>>) target_semaphore(%run_scoped3A : memref<!tpu.dma_semaphore, #tpu.memory_space<semaphore_mem>>)
        %dma_wait3A = arith.constant 0 : i32
        %dma_wait3A_20 = tpu.memref_slice %arg2[%add3A, %dma_wait3A] : memref<4x8192xi32, #tpu.memory_space<hbm>> -> memref<1x8192xi32, #tpu.memory_space<hbm>>
        %dma_wait3A_21 = tpu.memref_squeeze %dma_wait3A_20 : memref<1x8192xi32, #tpu.memory_space<hbm>> -> memref<8192xi32, #tpu.memory_space<hbm>>
        %dma_wait3A_22 = arith.constant 0 : i32
        %dma_wait3A_23 = tpu.memref_slice %arg2[%add3A, %dma_wait3A_22] : memref<4x8192xi32, #tpu.memory_space<hbm>> -> memref<1x8192xi32, #tpu.memory_space<hbm>>
        %dma_wait3A_24 = tpu.memref_squeeze %dma_wait3A_23 : memref<1x8192xi32, #tpu.memory_space<hbm>> -> memref<8192xi32, #tpu.memory_space<hbm>>
        tpu.wait_dma2 semaphore(%run_scoped3A : memref<!tpu.dma_semaphore, #tpu.memory_space<semaphore_mem>>) src(%dma_wait3A_24 : memref<8192xi32, #tpu.memory_space<hbm>>) dst(%arg4 : memref<8192xi32, #tpu.memory_space<vmem>>)
        tpu.yield
      }) : () -> ()
      %broadcast_in_dim3A = arith.constant 0 : i32
      %broadcast_in_dim3A_3 = vector.broadcast %broadcast_in_dim3A : i32 to vector<16xi32>
      %scan3A = arith.constant 0 : i32
      %scan3A_4 = arith.constant 128 : i32
      %scan3A_5 = arith.addi %scan3A, %scan3A_4 : i32
      %scan3A_6 = arith.constant 1 : i32
      %scan3A_7 = scf.for %scan3A_15 = %scan3A to %scan3A_5 step %scan3A_6 iter_args(%scan3A_16 = %broadcast_in_dim3A_3) -> (vector<16xi32>)  : i32 {
        %mul3A_17 = arith.constant 4 : i32
        %mul3A_18 = arith.muli %scan3A_15, %mul3A_17 : i32
        %add3A_19 = arith.constant 0 : i32
        %add3A_20 = arith.addi %mul3A_18, %add3A_19 : i32
        %mul3A_21 = arith.constant 16 : i32
        %mul3A_22 = arith.muli %add3A_20, %mul3A_21 : i32
        %get3A = arith.index_cast %mul3A_22 : i32 to index
        %get3A_23 = tpu.vector_load %arg4[%get3A] {strides = array<i32>} : memref<8192xi32, #tpu.memory_space<vmem>>, vector<16xi32>,
        %eq3A = arith.constant 2139095040 : i32
        %eq3A_24 = vector.broadcast %eq3A : i32 to vector<16xi32>
        %eq3A_25 = arith.cmpi eq, %get3A_23, %eq3A_24 : vector<16xi32>
        %jit3A = arith.constant 0 : i32
        %jit3A_26 = arith.constant 1 : i32
        %broadcast_in_dim3A_27 = vector.broadcast %jit3A : i32 to vector<16xi32>
        %broadcast_in_dim3A_28 = vector.broadcast %jit3A_26 : i32 to vector<16xi32>
        %select_n3A = arith.select %eq3A_25, %broadcast_in_dim3A_27, %broadcast_in_dim3A_28 : vector<16xi1>, vector<16xi32>
        %swap3A = arith.index_cast %mul3A_22 : i32 to index
        %swap3A_29 = tpu.vector_load %arg5[%swap3A] {strides = array<i32>} : memref<8192xi32, #tpu.memory_space<vmem>>, vector<16xi32>,
        tpu.vector_store %arg5[%swap3A], %select_n3A {strides = array<i32>} : memref<8192xi32, #tpu.memory_space<vmem>>, vector<16xi32>,
        %all_reduce_population_count3A = tpu.all_reduce %eq3A_25 {dim = 0 : i64, kind = #tpu.reduction_kind<sum>} : vector<16xi1> -> vector<16xi32>
        %add3A_30 = arith.addi %scan3A_16, %all_reduce_population_count3A : vector<16xi32>
        %mul3A_31 = arith.constant 4 : i32
        %mul3A_32 = arith.muli %scan3A_15, %mul3A_31 : i32
        %add3A_33 = arith.constant 1 : i32
        %add3A_34 = arith.addi %mul3A_32, %add3A_33 : i32
        %mul3A_35 = arith.constant 16 : i32
        %mul3A_36 = arith.muli %add3A_34, %mul3A_35 : i32
        %get3A_37 = arith.index_cast %mul3A_36 : i32 to index
        %get3A_38 = tpu.vector_load %arg4[%get3A_37] {strides = array<i32>} : memref<8192xi32, #tpu.memory_space<vmem>>, vector<16xi32>,
        %eq3A_39 = arith.constant 2139095040 : i32
        %eq3A_40 = vector.broadcast %eq3A_39 : i32 to vector<16xi32>
        %eq3A_41 = arith.cmpi eq, %get3A_38, %eq3A_40 : vector<16xi32>
        %jit3A_42 = arith.constant 0 : i32
        %jit3A_43 = arith.constant 1 : i32
        %broadcast_in_dim3A_44 = vector.broadcast %jit3A_42 : i32 to vector<16xi32>
        %broadcast_in_dim3A_45 = vector.broadcast %jit3A_43 : i32 to vector<16xi32>
        %select_n3A_46 = arith.select %eq3A_41, %broadcast_in_dim3A_44, %broadcast_in_dim3A_45 : vector<16xi1>, vector<16xi32>
        %swap3A_47 = arith.index_cast %mul3A_36 : i32 to index
        %swap3A_48 = tpu.vector_load %arg5[%swap3A_47] {strides = array<i32>} : memref<8192xi32, #tpu.memory_space<vmem>>, vector<16xi32>,
        tpu.vector_store %arg5[%swap3A_47], %select_n3A_46 {strides = array<i32>} : memref<8192xi32, #tpu.memory_space<vmem>>, vector<16xi32>,
        %all_reduce_population_count3A_49 = tpu.all_reduce %eq3A_41 {dim = 0 : i64, kind = #tpu.reduction_kind<sum>} : vector<16xi1> -> vector<16xi32>
        %add3A_50 = arith.addi %add3A_30, %all_reduce_population_count3A_49 : vector<16xi32>
        %mul3A_51 = arith.constant 4 : i32
        %mul3A_52 = arith.muli %scan3A_15, %mul3A_51 : i32
        %add3A_53 = arith.constant 2 : i32
        %add3A_54 = arith.addi %mul3A_52, %add3A_53 : i32
        %mul3A_55 = arith.constant 16 : i32
        %mul3A_56 = arith.muli %add3A_54, %mul3A_55 : i32
        %get3A_57 = arith.index_cast %mul3A_56 : i32 to index
        %get3A_58 = tpu.vector_load %arg4[%get3A_57] {strides = array<i32>} : memref<8192xi32, #tpu.memory_space<vmem>>, vector<16xi32>,
        %eq3A_59 = arith.constant 2139095040 : i32
        %eq3A_60 = vector.broadcast %eq3A_59 : i32 to vector<16xi32>
        %eq3A_61 = arith.cmpi eq, %get3A_58, %eq3A_60 : vector<16xi32>
        %jit3A_62 = arith.constant 0 : i32
        %jit3A_63 = arith.constant 1 : i32
        %broadcast_in_dim3A_64 = vector.broadcast %jit3A_62 : i32 to vector<16xi32>
        %broadcast_in_dim3A_65 = vector.broadcast %jit3A_63 : i32 to vector<16xi32>
        %select_n3A_66 = arith.select %eq3A_61, %broadcast_in_dim3A_64, %broadcast_in_dim3A_65 : vector<16xi1>, vector<16xi32>
        %swap3A_67 = arith.index_cast %mul3A_56 : i32 to index
        %swap3A_68 = tpu.vector_load %arg5[%swap3A_67] {strides = array<i32>} : memref<8192xi32, #tpu.memory_space<vmem>>, vector<16xi32>,
        tpu.vector_store %arg5[%swap3A_67], %select_n3A_66 {strides = array<i32>} : memref<8192xi32, #tpu.memory_space<vmem>>, vector<16xi32>,
        %all_reduce_population_count3A_69 = tpu.all_reduce %eq3A_61 {dim = 0 : i64, kind = #tpu.reduction_kind<sum>} : vector<16xi1> -> vector<16xi32>
        %add3A_70 = arith.addi %add3A_50, %all_reduce_population_count3A_69 : vector<16xi32>
        %mul3A_71 = arith.constant 4 : i32
        %mul3A_72 = arith.muli %scan3A_15, %mul3A_71 : i32
        %add3A_73 = arith.constant 3 : i32
        %add3A_74 = arith.addi %mul3A_72, %add3A_73 : i32
        %mul3A_75 = arith.constant 16 : i32
        %mul3A_76 = arith.muli %add3A_74, %mul3A_75 : i32
        %get3A_77 = arith.index_cast %mul3A_76 : i32 to index
        %get3A_78 = tpu.vector_load %arg4[%get3A_77] {strides = array<i32>} : memref<8192xi32, #tpu.memory_space<vmem>>, vector<16xi32>,
        %eq3A_79 = arith.constant 2139095040 : i32
        %eq3A_80 = vector.broadcast %eq3A_79 : i32 to vector<16xi32>
        %eq3A_81 = arith.cmpi eq, %get3A_78, %eq3A_80 : vector<16xi32>
        %jit3A_82 = arith.constant 0 : i32
        %jit3A_83 = arith.constant 1 : i32
        %broadcast_in_dim3A_84 = vector.broadcast %jit3A_82 : i32 to vector<16xi32>
        %broadcast_in_dim3A_85 = vector.broadcast %jit3A_83 : i32 to vector<16xi32>
        %select_n3A_86 = arith.select %eq3A_81, %broadcast_in_dim3A_84, %broadcast_in_dim3A_85 : vector<16xi1>, vector<16xi32>
        %swap3A_87 = arith.index_cast %mul3A_76 : i32 to index
        %swap3A_88 = tpu.vector_load %arg5[%swap3A_87] {strides = array<i32>} : memref<8192xi32, #tpu.memory_space<vmem>>, vector<16xi32>,
        tpu.vector_store %arg5[%swap3A_87], %select_n3A_86 {strides = array<i32>} : memref<8192xi32, #tpu.memory_space<vmem>>, vector<16xi32>,
        %all_reduce_population_count3A_89 = tpu.all_reduce %eq3A_81 {dim = 0 : i64, kind = #tpu.reduction_kind<sum>} : vector<16xi1> -> vector<16xi32>
        %add3A_90 = arith.addi %add3A_70, %all_reduce_population_count3A_89 : vector<16xi32>
        scf.yield %add3A_90 : vector<16xi32>
      }
      %scan3A_8 = arith.constant 128 : i32
      %slice3A = vector.extract_strided_slice %scan3A_7 {offsets = [0], sizes = [1], strides = [1]} : vector<16xi32> to vector<1xi32>
      %squeeze3A = vector.extract %slice3A[0] : i32 from vector<1xi32>
      %sub3A = arith.constant 1638 : i32
      %sub3A_9 = arith.subi %sub3A, %squeeze3A : i32
      %max3A = arith.constant 0 : i32
      %max3A_10 = arith.maxsi %sub3A_9, %max3A : i32
      %gt3A = arith.constant 0 : i32
      %gt3A_11 = arith.cmpi sgt, %max3A_10, %gt3A : i32
      %convert_element_type3A_12 = arith.extui %gt3A_11 : i1 to i32
      %cond3A_13 = arith.constant 0 : i32
      %cond3A_14 = arith.cmpi ne, %convert_element_type3A_12, %cond3A_13 : i32
      scf.if %cond3A_14 {
        %broadcast_in_dim3A_15 = vector.broadcast %max3A_10 : i32 to vector<16xi32>
        %broadcast_in_dim3A_16 = arith.constant 1056964609 : i32
        %broadcast_in_dim3A_17 = vector.broadcast %broadcast_in_dim3A_16 : i32 to vector<16xi32>
        %broadcast_in_dim3A_18 = arith.constant 1065353216 : i32
        %broadcast_in_dim3A_19 = vector.broadcast %broadcast_in_dim3A_18 : i32 to vector<16xi32>
        %scan3A_20 = arith.constant 0 : i32
        %scan3A_21 = arith.constant 24 : i32
        %scan3A_22 = arith.addi %scan3A_20, %scan3A_21 : i32
        %scan3A_23 = arith.constant 1 : i32
        %scan3A_24:2 = scf.for %scan3A_60 = %scan3A_20 to %scan3A_22 step %scan3A_23 iter_args(%scan3A_61 = %broadcast_in_dim3A_17, %scan3A_62 = %broadcast_in_dim3A_19) -> (vector<16xi32>, vector<16xi32>)  : i32 {
          %add3A_63 = arith.addi %scan3A_61, %scan3A_62 : vector<16xi32>
          %shift_right_arithmetic3A = arith.constant 1 : i32
          %shift_right_arithmetic3A_64 = vector.broadcast %shift_right_arithmetic3A : i32 to vector<16xi32>
          %shift_right_arithmetic3A_65 = arith.shrsi %add3A_63, %shift_right_arithmetic3A_64 : vector<16xi32>
          %broadcast_in_dim3A_66 = arith.constant 0 : i32
          %broadcast_in_dim3A_67 = vector.broadcast %broadcast_in_dim3A_66 : i32 to vector<16xi32>
          %scan3A_68 = arith.constant 0 : i32
          %scan3A_69 = arith.constant 128 : i32
          %scan3A_70 = arith.addi %scan3A_68, %scan3A_69 : i32
          %scan3A_71 = arith.constant 1 : i32
          %scan3A_72 = scf.for %scan3A_79 = %scan3A_68 to %scan3A_70 step %scan3A_71 iter_args(%scan3A_80 = %broadcast_in_dim3A_67) -> (vector<16xi32>)  : i32 {
            %mul3A_81 = arith.constant 4 : i32
            %mul3A_82 = arith.muli %scan3A_79, %mul3A_81 : i32
            %add3A_83 = arith.constant 0 : i32
            %add3A_84 = arith.addi %mul3A_82, %add3A_83 : i32
            %mul3A_85 = arith.constant 16 : i32
            %mul3A_86 = arith.muli %add3A_84, %mul3A_85 : i32
            %get3A = arith.index_cast %mul3A_86 : i32 to index
            %get3A_87 = tpu.vector_load %arg4[%get3A] {strides = array<i32>} : memref<8192xi32, #tpu.memory_space<vmem>>, vector<16xi32>,
            %le3A = arith.cmpi sle, %get3A_87, %shift_right_arithmetic3A_65 : vector<16xi32>
            %all_reduce_population_count3A = tpu.all_reduce %le3A {dim = 0 : i64, kind = #tpu.reduction_kind<sum>} : vector<16xi1> -> vector<16xi32>
            %add3A_88 = arith.addi %scan3A_80, %all_reduce_population_count3A : vector<16xi32>
            %mul3A_89 = arith.constant 4 : i32
            %mul3A_90 = arith.muli %scan3A_79, %mul3A_89 : i32
            %add3A_91 = arith.constant 1 : i32
            %add3A_92 = arith.addi %mul3A_90, %add3A_91 : i32
            %mul3A_93 = arith.constant 16 : i32
            %mul3A_94 = arith.muli %add3A_92, %mul3A_93 : i32
            %get3A_95 = arith.index_cast %mul3A_94 : i32 to index
            %get3A_96 = tpu.vector_load %arg4[%get3A_95] {strides = array<i32>} : memref<8192xi32, #tpu.memory_space<vmem>>, vector<16xi32>,
            %le3A_97 = arith.cmpi sle, %get3A_96, %shift_right_arithmetic3A_65 : vector<16xi32>
            %all_reduce_population_count3A_98 = tpu.all_reduce %le3A_97 {dim = 0 : i64, kind = #tpu.reduction_kind<sum>} : vector<16xi1> -> vector<16xi32>
            %add3A_99 = arith.addi %add3A_88, %all_reduce_population_count3A_98 : vector<16xi32>
            %mul3A_100 = arith.constant 4 : i32
            %mul3A_101 = arith.muli %scan3A_79, %mul3A_100 : i32
            %add3A_102 = arith.constant 2 : i32
            %add3A_103 = arith.addi %mul3A_101, %add3A_102 : i32
            %mul3A_104 = arith.constant 16 : i32
            %mul3A_105 = arith.muli %add3A_103, %mul3A_104 : i32
            %get3A_106 = arith.index_cast %mul3A_105 : i32 to index
            %get3A_107 = tpu.vector_load %arg4[%get3A_106] {strides = array<i32>} : memref<8192xi32, #tpu.memory_space<vmem>>, vector<16xi32>,
            %le3A_108 = arith.cmpi sle, %get3A_107, %shift_right_arithmetic3A_65 : vector<16xi32>
            %all_reduce_population_count3A_109 = tpu.all_reduce %le3A_108 {dim = 0 : i64, kind = #tpu.reduction_kind<sum>} : vector<16xi1> -> vector<16xi32>
            %add3A_110 = arith.addi %add3A_99, %all_reduce_population_count3A_109 : vector<16xi32>
            %mul3A_111 = arith.constant 4 : i32
            %mul3A_112 = arith.muli %scan3A_79, %mul3A_111 : i32
            %add3A_113 = arith.constant 3 : i32
            %add3A_114 = arith.addi %mul3A_112, %add3A_113 : i32
            %mul3A_115 = arith.constant 16 : i32
            %mul3A_116 = arith.muli %add3A_114, %mul3A_115 : i32
            %get3A_117 = arith.index_cast %mul3A_116 : i32 to index
            %get3A_118 = tpu.vector_load %arg4[%get3A_117] {strides = array<i32>} : memref<8192xi32, #tpu.memory_space<vmem>>, vector<16xi32>,
            %le3A_119 = arith.cmpi sle, %get3A_118, %shift_right_arithmetic3A_65 : vector<16xi32>
            %all_reduce_population_count3A_120 = tpu.all_reduce %le3A_119 {dim = 0 : i64, kind = #tpu.reduction_kind<sum>} : vector<16xi1> -> vector<16xi32>
            %add3A_121 = arith.addi %add3A_110, %all_reduce_population_count3A_120 : vector<16xi32>
            scf.yield %add3A_121 : vector<16xi32>
          }
          %scan3A_73 = arith.constant 128 : i32
          %ge3A = arith.cmpi sge, %scan3A_72, %broadcast_in_dim3A_15 : vector<16xi32>
          %add3A_74 = arith.constant 1 : i32
          %add3A_75 = vector.broadcast %add3A_74 : i32 to vector<16xi32>
          %add3A_76 = arith.addi %shift_right_arithmetic3A_65, %add3A_75 : vector<16xi32>
          %select_n3A_77 = arith.select %ge3A, %scan3A_61, %add3A_76 : vector<16xi1>, vector<16xi32>
          %select_n3A_78 = arith.select %ge3A, %shift_right_arithmetic3A_65, %scan3A_62 : vector<16xi1>, vector<16xi32>
          scf.yield %select_n3A_77, %select_n3A_78 : vector<16xi32>, vector<16xi32>
        }
        %scan3A_25 = arith.constant 24 : i32
        %sub3A_26 = arith.constant 1 : i32
        %sub3A_27 = vector.broadcast %sub3A_26 : i32 to vector<16xi32>
        %sub3A_28 = arith.subi %scan3A_24#1, %sub3A_27 : vector<16xi32>
        %broadcast_in_dim3A_29 = arith.constant 0 : i32
        %broadcast_in_dim3A_30 = vector.broadcast %broadcast_in_dim3A_29 : i32 to vector<16xi32>
        %scan3A_31 = arith.constant 0 : i32
        %scan3A_32 = arith.constant 128 : i32
        %scan3A_33 = arith.addi %scan3A_31, %scan3A_32 : i32
        %scan3A_34 = arith.constant 1 : i32
        %scan3A_35 = scf.for %scan3A_60 = %scan3A_31 to %scan3A_33 step %scan3A_34 iter_args(%scan3A_61 = %broadcast_in_dim3A_30) -> (vector<16xi32>)  : i32 {
          %mul3A_62 = arith.constant 4 : i32
          %mul3A_63 = arith.muli %scan3A_60, %mul3A_62 : i32
          %add3A_64 = arith.constant 0 : i32
          %add3A_65 = arith.addi %mul3A_63, %add3A_64 : i32
          %mul3A_66 = arith.constant 16 : i32
          %mul3A_67 = arith.muli %add3A_65, %mul3A_66 : i32
          %get3A = arith.index_cast %mul3A_67 : i32 to index
          %get3A_68 = tpu.vector_load %arg4[%get3A] {strides = array<i32>} : memref<8192xi32, #tpu.memory_space<vmem>>, vector<16xi32>,
          %le3A = arith.cmpi sle, %get3A_68, %sub3A_28 : vector<16xi32>
          %all_reduce_population_count3A = tpu.all_reduce %le3A {dim = 0 : i64, kind = #tpu.reduction_kind<sum>} : vector<16xi1> -> vector<16xi32>
          %add3A_69 = arith.addi %scan3A_61, %all_reduce_population_count3A : vector<16xi32>
          %mul3A_70 = arith.constant 4 : i32
          %mul3A_71 = arith.muli %scan3A_60, %mul3A_70 : i32
          %add3A_72 = arith.constant 1 : i32
          %add3A_73 = arith.addi %mul3A_71, %add3A_72 : i32
          %mul3A_74 = arith.constant 16 : i32
          %mul3A_75 = arith.muli %add3A_73, %mul3A_74 : i32
          %get3A_76 = arith.index_cast %mul3A_75 : i32 to index
          %get3A_77 = tpu.vector_load %arg4[%get3A_76] {strides = array<i32>} : memref<8192xi32, #tpu.memory_space<vmem>>, vector<16xi32>,
          %le3A_78 = arith.cmpi sle, %get3A_77, %sub3A_28 : vector<16xi32>
          %all_reduce_population_count3A_79 = tpu.all_reduce %le3A_78 {dim = 0 : i64, kind = #tpu.reduction_kind<sum>} : vector<16xi1> -> vector<16xi32>
          %add3A_80 = arith.addi %add3A_69, %all_reduce_population_count3A_79 : vector<16xi32>
          %mul3A_81 = arith.constant 4 : i32
          %mul3A_82 = arith.muli %scan3A_60, %mul3A_81 : i32
          %add3A_83 = arith.constant 2 : i32
          %add3A_84 = arith.addi %mul3A_82, %add3A_83 : i32
          %mul3A_85 = arith.constant 16 : i32
          %mul3A_86 = arith.muli %add3A_84, %mul3A_85 : i32
          %get3A_87 = arith.index_cast %mul3A_86 : i32 to index
          %get3A_88 = tpu.vector_load %arg4[%get3A_87] {strides = array<i32>} : memref<8192xi32, #tpu.memory_space<vmem>>, vector<16xi32>,
          %le3A_89 = arith.cmpi sle, %get3A_88, %sub3A_28 : vector<16xi32>
          %all_reduce_population_count3A_90 = tpu.all_reduce %le3A_89 {dim = 0 : i64, kind = #tpu.reduction_kind<sum>} : vector<16xi1> -> vector<16xi32>
          %add3A_91 = arith.addi %add3A_80, %all_reduce_population_count3A_90 : vector<16xi32>
          %mul3A_92 = arith.constant 4 : i32
          %mul3A_93 = arith.muli %scan3A_60, %mul3A_92 : i32
          %add3A_94 = arith.constant 3 : i32
          %add3A_95 = arith.addi %mul3A_93, %add3A_94 : i32
          %mul3A_96 = arith.constant 16 : i32
          %mul3A_97 = arith.muli %add3A_95, %mul3A_96 : i32
          %get3A_98 = arith.index_cast %mul3A_97 : i32 to index
          %get3A_99 = tpu.vector_load %arg4[%get3A_98] {strides = array<i32>} : memref<8192xi32, #tpu.memory_space<vmem>>, vector<16xi32>,
          %le3A_100 = arith.cmpi sle, %get3A_99, %sub3A_28 : vector<16xi32>
          %all_reduce_population_count3A_101 = tpu.all_reduce %le3A_100 {dim = 0 : i64, kind = #tpu.reduction_kind<sum>} : vector<16xi1> -> vector<16xi32>
          %add3A_102 = arith.addi %add3A_91, %all_reduce_population_count3A_101 : vector<16xi32>
          scf.yield %add3A_102 : vector<16xi32>
        }
        %scan3A_36 = arith.constant 128 : i32
        %sub3A_37 = arith.subi %broadcast_in_dim3A_15, %scan3A_35 : vector<16xi32>
        %broadcast_in_dim3A_38 = arith.constant 0 : i32
        %broadcast_in_dim3A_39 = vector.broadcast %broadcast_in_dim3A_38 : i32 to vector<16xi32>
        %broadcast_in_dim3A_40 = arith.constant 8191 : i32
        %broadcast_in_dim3A_41 = vector.broadcast %broadcast_in_dim3A_40 : i32 to vector<16xi32>
        %scan3A_42 = arith.constant 0 : i32
        %scan3A_43 = arith.constant 14 : i32
        %scan3A_44 = arith.addi %scan3A_42, %scan3A_43 : i32
        %scan3A_45 = arith.constant 1 : i32
        %scan3A_46:2 = scf.for %scan3A_60 = %scan3A_42 to %scan3A_44 step %scan3A_45 iter_args(%scan3A_61 = %broadcast_in_dim3A_39, %scan3A_62 = %broadcast_in_dim3A_41) -> (vector<16xi32>, vector<16xi32>)  : i32 {
          %add3A_63 = arith.addi %scan3A_61, %scan3A_62 : vector<16xi32>
          %shift_right_arithmetic3A = arith.constant 1 : i32
          %shift_right_arithmetic3A_64 = vector.broadcast %shift_right_arithmetic3A : i32 to vector<16xi32>
          %shift_right_arithmetic3A_65 = arith.shrsi %add3A_63, %shift_right_arithmetic3A_64 : vector<16xi32>
          %broadcast_in_dim3A_66 = arith.constant 0 : i32
          %broadcast_in_dim3A_67 = vector.broadcast %broadcast_in_dim3A_66 : i32 to vector<16xi32>
          %scan3A_68 = arith.constant 0 : i32
          %scan3A_69 = arith.constant 128 : i32
          %scan3A_70 = arith.addi %scan3A_68, %scan3A_69 : i32
          %scan3A_71 = arith.constant 1 : i32
          %scan3A_72 = scf.for %scan3A_79 = %scan3A_68 to %scan3A_70 step %scan3A_71 iter_args(%scan3A_80 = %broadcast_in_dim3A_67) -> (vector<16xi32>)  : i32 {
            %mul3A_81 = arith.constant 4 : i32
            %mul3A_82 = arith.muli %scan3A_79, %mul3A_81 : i32
            %add3A_83 = arith.constant 0 : i32
            %add3A_84 = arith.addi %mul3A_82, %add3A_83 : i32
            %mul3A_85 = arith.constant 16 : i32
            %mul3A_86 = arith.muli %add3A_84, %mul3A_85 : i32
            %get3A = arith.index_cast %mul3A_86 : i32 to index
            %get3A_87 = tpu.vector_load %arg4[%get3A] {strides = array<i32>} : memref<8192xi32, #tpu.memory_space<vmem>>, vector<16xi32>,
            %eq3A = arith.cmpi eq, %get3A_87, %scan3A_24#1 : vector<16xi32>
            %add3A_88 = vector.broadcast %mul3A_86 : i32 to vector<16xi32>
            %add3A_89 = arith.addi %iota3A, %add3A_88 : vector<16xi32>
            %le3A = arith.cmpi sle, %add3A_89, %shift_right_arithmetic3A_65 : vector<16xi32>
            %and3A = arith.andi %eq3A, %le3A : vector<16xi1>
            %all_reduce_population_count3A = tpu.all_reduce %and3A {dim = 0 : i64, kind = #tpu.reduction_kind<sum>} : vector<16xi1> -> vector<16xi32>
            %add3A_90 = arith.addi %scan3A_80, %all_reduce_population_count3A : vector<16xi32>
            %mul3A_91 = arith.constant 4 : i32
            %mul3A_92 = arith.muli %scan3A_79, %mul3A_91 : i32
            %add3A_93 = arith.constant 1 : i32
            %add3A_94 = arith.addi %mul3A_92, %add3A_93 : i32
            %mul3A_95 = arith.constant 16 : i32
            %mul3A_96 = arith.muli %add3A_94, %mul3A_95 : i32
            %get3A_97 = arith.index_cast %mul3A_96 : i32 to index
            %get3A_98 = tpu.vector_load %arg4[%get3A_97] {strides = array<i32>} : memref<8192xi32, #tpu.memory_space<vmem>>, vector<16xi32>,
            %eq3A_99 = arith.cmpi eq, %get3A_98, %scan3A_24#1 : vector<16xi32>
            %add3A_100 = vector.broadcast %mul3A_96 : i32 to vector<16xi32>
            %add3A_101 = arith.addi %iota3A, %add3A_100 : vector<16xi32>
            %le3A_102 = arith.cmpi sle, %add3A_101, %shift_right_arithmetic3A_65 : vector<16xi32>
            %and3A_103 = arith.andi %eq3A_99, %le3A_102 : vector<16xi1>
            %all_reduce_population_count3A_104 = tpu.all_reduce %and3A_103 {dim = 0 : i64, kind = #tpu.reduction_kind<sum>} : vector<16xi1> -> vector<16xi32>
            %add3A_105 = arith.addi %add3A_90, %all_reduce_population_count3A_104 : vector<16xi32>
            %mul3A_106 = arith.constant 4 : i32
            %mul3A_107 = arith.muli %scan3A_79, %mul3A_106 : i32
            %add3A_108 = arith.constant 2 : i32
            %add3A_109 = arith.addi %mul3A_107, %add3A_108 : i32
            %mul3A_110 = arith.constant 16 : i32
            %mul3A_111 = arith.muli %add3A_109, %mul3A_110 : i32
            %get3A_112 = arith.index_cast %mul3A_111 : i32 to index
            %get3A_113 = tpu.vector_load %arg4[%get3A_112] {strides = array<i32>} : memref<8192xi32, #tpu.memory_space<vmem>>, vector<16xi32>,
            %eq3A_114 = arith.cmpi eq, %get3A_113, %scan3A_24#1 : vector<16xi32>
            %add3A_115 = vector.broadcast %mul3A_111 : i32 to vector<16xi32>
            %add3A_116 = arith.addi %iota3A, %add3A_115 : vector<16xi32>
            %le3A_117 = arith.cmpi sle, %add3A_116, %shift_right_arithmetic3A_65 : vector<16xi32>
            %and3A_118 = arith.andi %eq3A_114, %le3A_117 : vector<16xi1>
            %all_reduce_population_count3A_119 = tpu.all_reduce %and3A_118 {dim = 0 : i64, kind = #tpu.reduction_kind<sum>} : vector<16xi1> -> vector<16xi32>
            %add3A_120 = arith.addi %add3A_105, %all_reduce_population_count3A_119 : vector<16xi32>
            %mul3A_121 = arith.constant 4 : i32
            %mul3A_122 = arith.muli %scan3A_79, %mul3A_121 : i32
            %add3A_123 = arith.constant 3 : i32
            %add3A_124 = arith.addi %mul3A_122, %add3A_123 : i32
            %mul3A_125 = arith.constant 16 : i32
            %mul3A_126 = arith.muli %add3A_124, %mul3A_125 : i32
            %get3A_127 = arith.index_cast %mul3A_126 : i32 to index
            %get3A_128 = tpu.vector_load %arg4[%get3A_127] {strides = array<i32>} : memref<8192xi32, #tpu.memory_space<vmem>>, vector<16xi32>,
            %eq3A_129 = arith.cmpi eq, %get3A_128, %scan3A_24#1 : vector<16xi32>
            %add3A_130 = vector.broadcast %mul3A_126 : i32 to vector<16xi32>
            %add3A_131 = arith.addi %iota3A, %add3A_130 : vector<16xi32>
            %le3A_132 = arith.cmpi sle, %add3A_131, %shift_right_arithmetic3A_65 : vector<16xi32>
            %and3A_133 = arith.andi %eq3A_129, %le3A_132 : vector<16xi1>
            %all_reduce_population_count3A_134 = tpu.all_reduce %and3A_133 {dim = 0 : i64, kind = #tpu.reduction_kind<sum>} : vector<16xi1> -> vector<16xi32>
            %add3A_135 = arith.addi %add3A_120, %all_reduce_population_count3A_134 : vector<16xi32>
            scf.yield %add3A_135 : vector<16xi32>
          }
          %scan3A_73 = arith.constant 128 : i32
          %ge3A = arith.cmpi sge, %scan3A_72, %sub3A_37 : vector<16xi32>
          %add3A_74 = arith.constant 1 : i32
          %add3A_75 = vector.broadcast %add3A_74 : i32 to vector<16xi32>
          %add3A_76 = arith.addi %shift_right_arithmetic3A_65, %add3A_75 : vector<16xi32>
          %select_n3A_77 = arith.select %ge3A, %scan3A_61, %add3A_76 : vector<16xi1>, vector<16xi32>
          %select_n3A_78 = arith.select %ge3A, %shift_right_arithmetic3A_65, %scan3A_62 : vector<16xi1>, vector<16xi32>
          scf.yield %select_n3A_77, %select_n3A_78 : vector<16xi32>, vector<16xi32>
        }
        %scan3A_47 = arith.constant 14 : i32
        %gt3A_48 = arith.constant 0 : i32
        %gt3A_49 = vector.broadcast %gt3A_48 : i32 to vector<16xi32>
        %gt3A_50 = arith.cmpi sgt, %sub3A_37, %gt3A_49 : vector<16xi32>
        %jit3A = arith.constant 1 : i32
        %jit3A_51 = arith.constant 0 : i32
        %broadcast_in_dim3A_52 = vector.broadcast %jit3A : i32 to vector<16xi32>
        %broadcast_in_dim3A_53 = vector.broadcast %jit3A_51 : i32 to vector<16xi32>
        %select_n3A = arith.select %gt3A_50, %broadcast_in_dim3A_52, %broadcast_in_dim3A_53 : vector<16xi1>, vector<16xi32>
        %scan3A_54 = arith.constant 0 : i32
        %scan3A_55 = arith.constant 0 : i32
        %scan3A_56 = arith.constant 128 : i32
        %scan3A_57 = arith.addi %scan3A_55, %scan3A_56 : i32
        %scan3A_58 = arith.constant 1 : i32
        scf.for %scan3A_60 = %scan3A_55 to %scan3A_57 step %scan3A_58  : i32 {
          %mul3A_61 = arith.constant 4 : i32
          %mul3A_62 = arith.muli %scan3A_60, %mul3A_61 : i32
          %add3A_63 = arith.constant 0 : i32
          %add3A_64 = arith.addi %mul3A_62, %add3A_63 : i32
          %mul3A_65 = arith.constant 16 : i32
          %mul3A_66 = arith.muli %add3A_64, %mul3A_65 : i32
          %get3A = arith.index_cast %mul3A_66 : i32 to index
          %get3A_67 = tpu.vector_load %arg4[%get3A] {strides = array<i32>} : memref<8192xi32, #tpu.memory_space<vmem>>, vector<16xi32>,
          %get3A_68 = arith.index_cast %mul3A_66 : i32 to index
          %get3A_69 = tpu.vector_load %arg5[%get3A_68] {strides = array<i32>} : memref<8192xi32, #tpu.memory_space<vmem>>, vector<16xi32>,
          %eq3A = arith.cmpi eq, %get3A_67, %scan3A_24#1 : vector<16xi32>
          %add3A_70 = vector.broadcast %mul3A_66 : i32 to vector<16xi32>
          %add3A_71 = arith.addi %iota3A, %add3A_70 : vector<16xi32>
          %le3A = arith.cmpi sle, %add3A_71, %scan3A_46#1 : vector<16xi32>
          %eq3A_72 = arith.constant 1 : i32
          %eq3A_73 = vector.broadcast %eq3A_72 : i32 to vector<16xi32>
          %eq3A_74 = arith.cmpi eq, %select_n3A, %eq3A_73 : vector<16xi32>
          %and3A = arith.andi %le3A, %eq3A_74 : vector<16xi1>
          %and3A_75 = arith.andi %eq3A, %and3A : vector<16xi1>
          %lt3A_76 = arith.cmpi slt, %get3A_67, %scan3A_24#1 : vector<16xi32>
          %or3A = arith.ori %lt3A_76, %and3A_75 : vector<16xi1>
          %jit3A_77 = arith.constant 0 : i32
          %broadcast_in_dim3A_78 = vector.broadcast %jit3A_77 : i32 to vector<16xi32>
          %select_n3A_79 = arith.select %or3A, %broadcast_in_dim3A_78, %get3A_69 : vector<16xi1>, vector<16xi32>
          %swap3A = arith.index_cast %mul3A_66 : i32 to index
          %swap3A_80 = tpu.vector_load %arg5[%swap3A] {strides = array<i32>} : memref<8192xi32, #tpu.memory_space<vmem>>, vector<16xi32>,
          tpu.vector_store %arg5[%swap3A], %select_n3A_79 {strides = array<i32>} : memref<8192xi32, #tpu.memory_space<vmem>>, vector<16xi32>,
          %mul3A_81 = arith.constant 4 : i32
          %mul3A_82 = arith.muli %scan3A_60, %mul3A_81 : i32
          %add3A_83 = arith.constant 1 : i32
          %add3A_84 = arith.addi %mul3A_82, %add3A_83 : i32
          %mul3A_85 = arith.constant 16 : i32
          %mul3A_86 = arith.muli %add3A_84, %mul3A_85 : i32
          %get3A_87 = arith.index_cast %mul3A_86 : i32 to index
          %get3A_88 = tpu.vector_load %arg4[%get3A_87] {strides = array<i32>} : memref<8192xi32, #tpu.memory_space<vmem>>, vector<16xi32>,
          %get3A_89 = arith.index_cast %mul3A_86 : i32 to index
          %get3A_90 = tpu.vector_load %arg5[%get3A_89] {strides = array<i32>} : memref<8192xi32, #tpu.memory_space<vmem>>, vector<16xi32>,
          %eq3A_91 = arith.cmpi eq, %get3A_88, %scan3A_24#1 : vector<16xi32>
          %add3A_92 = vector.broadcast %mul3A_86 : i32 to vector<16xi32>
          %add3A_93 = arith.addi %iota3A, %add3A_92 : vector<16xi32>
          %le3A_94 = arith.cmpi sle, %add3A_93, %scan3A_46#1 : vector<16xi32>
          %eq3A_95 = arith.constant 1 : i32
          %eq3A_96 = vector.broadcast %eq3A_95 : i32 to vector<16xi32>
          %eq3A_97 = arith.cmpi eq, %select_n3A, %eq3A_96 : vector<16xi32>
          %and3A_98 = arith.andi %le3A_94, %eq3A_97 : vector<16xi1>
          %and3A_99 = arith.andi %eq3A_91, %and3A_98 : vector<16xi1>
          %lt3A_100 = arith.cmpi slt, %get3A_88, %scan3A_24#1 : vector<16xi32>
          %or3A_101 = arith.ori %lt3A_100, %and3A_99 : vector<16xi1>
          %jit3A_102 = arith.constant 0 : i32
          %broadcast_in_dim3A_103 = vector.broadcast %jit3A_102 : i32 to vector<16xi32>
          %select_n3A_104 = arith.select %or3A_101, %broadcast_in_dim3A_103, %get3A_90 : vector<16xi1>, vector<16xi32>
          %swap3A_105 = arith.index_cast %mul3A_86 : i32 to index
          %swap3A_106 = tpu.vector_load %arg5[%swap3A_105] {strides = array<i32>} : memref<8192xi32, #tpu.memory_space<vmem>>, vector<16xi32>,
          tpu.vector_store %arg5[%swap3A_105], %select_n3A_104 {strides = array<i32>} : memref<8192xi32, #tpu.memory_space<vmem>>, vector<16xi32>,
          %mul3A_107 = arith.constant 4 : i32
          %mul3A_108 = arith.muli %scan3A_60, %mul3A_107 : i32
          %add3A_109 = arith.constant 2 : i32
          %add3A_110 = arith.addi %mul3A_108, %add3A_109 : i32
          %mul3A_111 = arith.constant 16 : i32
          %mul3A_112 = arith.muli %add3A_110, %mul3A_111 : i32
          %get3A_113 = arith.index_cast %mul3A_112 : i32 to index
          %get3A_114 = tpu.vector_load %arg4[%get3A_113] {strides = array<i32>} : memref<8192xi32, #tpu.memory_space<vmem>>, vector<16xi32>,
          %get3A_115 = arith.index_cast %mul3A_112 : i32 to index
          %get3A_116 = tpu.vector_load %arg5[%get3A_115] {strides = array<i32>} : memref<8192xi32, #tpu.memory_space<vmem>>, vector<16xi32>,
          %eq3A_117 = arith.cmpi eq, %get3A_114, %scan3A_24#1 : vector<16xi32>
          %add3A_118 = vector.broadcast %mul3A_112 : i32 to vector<16xi32>
          %add3A_119 = arith.addi %iota3A, %add3A_118 : vector<16xi32>
          %le3A_120 = arith.cmpi sle, %add3A_119, %scan3A_46#1 : vector<16xi32>
          %eq3A_121 = arith.constant 1 : i32
          %eq3A_122 = vector.broadcast %eq3A_121 : i32 to vector<16xi32>
          %eq3A_123 = arith.cmpi eq, %select_n3A, %eq3A_122 : vector<16xi32>
          %and3A_124 = arith.andi %le3A_120, %eq3A_123 : vector<16xi1>
          %and3A_125 = arith.andi %eq3A_117, %and3A_124 : vector<16xi1>
          %lt3A_126 = arith.cmpi slt, %get3A_114, %scan3A_24#1 : vector<16xi32>
          %or3A_127 = arith.ori %lt3A_126, %and3A_125 : vector<16xi1>
          %jit3A_128 = arith.constant 0 : i32
          %broadcast_in_dim3A_129 = vector.broadcast %jit3A_128 : i32 to vector<16xi32>
          %select_n3A_130 = arith.select %or3A_127, %broadcast_in_dim3A_129, %get3A_116 : vector<16xi1>, vector<16xi32>
          %swap3A_131 = arith.index_cast %mul3A_112 : i32 to index
          %swap3A_132 = tpu.vector_load %arg5[%swap3A_131] {strides = array<i32>} : memref<8192xi32, #tpu.memory_space<vmem>>, vector<16xi32>,
          tpu.vector_store %arg5[%swap3A_131], %select_n3A_130 {strides = array<i32>} : memref<8192xi32, #tpu.memory_space<vmem>>, vector<16xi32>,
          %mul3A_133 = arith.constant 4 : i32
          %mul3A_134 = arith.muli %scan3A_60, %mul3A_133 : i32
          %add3A_135 = arith.constant 3 : i32
          %add3A_136 = arith.addi %mul3A_134, %add3A_135 : i32
          %mul3A_137 = arith.constant 16 : i32
          %mul3A_138 = arith.muli %add3A_136, %mul3A_137 : i32
          %get3A_139 = arith.index_cast %mul3A_138 : i32 to index
          %get3A_140 = tpu.vector_load %arg4[%get3A_139] {strides = array<i32>} : memref<8192xi32, #tpu.memory_space<vmem>>, vector<16xi32>,
          %get3A_141 = arith.index_cast %mul3A_138 : i32 to index
          %get3A_142 = tpu.vector_load %arg5[%get3A_141] {strides = array<i32>} : memref<8192xi32, #tpu.memory_space<vmem>>, vector<16xi32>,
          %eq3A_143 = arith.cmpi eq, %get3A_140, %scan3A_24#1 : vector<16xi32>
          %add3A_144 = vector.broadcast %mul3A_138 : i32 to vector<16xi32>
          %add3A_145 = arith.addi %iota3A, %add3A_144 : vector<16xi32>
          %le3A_146 = arith.cmpi sle, %add3A_145, %scan3A_46#1 : vector<16xi32>
          %eq3A_147 = arith.constant 1 : i32
          %eq3A_148 = vector.broadcast %eq3A_147 : i32 to vector<16xi32>
          %eq3A_149 = arith.cmpi eq, %select_n3A, %eq3A_148 : vector<16xi32>
          %and3A_150 = arith.andi %le3A_146, %eq3A_149 : vector<16xi1>
          %and3A_151 = arith.andi %eq3A_143, %and3A_150 : vector<16xi1>
          %lt3A_152 = arith.cmpi slt, %get3A_140, %scan3A_24#1 : vector<16xi32>
          %or3A_153 = arith.ori %lt3A_152, %and3A_151 : vector<16xi1>
          %jit3A_154 = arith.constant 0 : i32
          %broadcast_in_dim3A_155 = vector.broadcast %jit3A_154 : i32 to vector<16xi32>
          %select_n3A_156 = arith.select %or3A_153, %broadcast_in_dim3A_155, %get3A_142 : vector<16xi1>, vector<16xi32>
          %swap3A_157 = arith.index_cast %mul3A_138 : i32 to index
          %swap3A_158 = tpu.vector_load %arg5[%swap3A_157] {strides = array<i32>} : memref<8192xi32, #tpu.memory_space<vmem>>, vector<16xi32>,
          tpu.vector_store %arg5[%swap3A_157], %select_n3A_156 {strides = array<i32>} : memref<8192xi32, #tpu.memory_space<vmem>>, vector<16xi32>,
        }
        %scan3A_59 = arith.constant 128 : i32
      } else {
      }
      "tpu.region"() ({
        %run_scoped3A = tpu.sem_alloc : memref<!tpu.dma_semaphore, #tpu.memory_space<semaphore_mem>>
        %dma_start3A = arith.constant 0 : i32
        %dma_start3A_15 = tpu.memref_slice %arg3[%add3A, %dma_start3A] : memref<4x8192xi32, #tpu.memory_space<hbm>> -> memref<1x8192xi32, #tpu.memory_space<hbm>>
        %dma_start3A_16 = tpu.memref_squeeze %dma_start3A_15 : memref<1x8192xi32, #tpu.memory_space<hbm>> -> memref<8192xi32, #tpu.memory_space<hbm>>
        %dma_start3A_17 = arith.constant 0 : i32
        %dma_start3A_18 = tpu.memref_slice %arg3[%add3A, %dma_start3A_17] : memref<4x8192xi32, #tpu.memory_space<hbm>> -> memref<1x8192xi32, #tpu.memory_space<hbm>>
        %dma_start3A_19 = tpu.memref_squeeze %dma_start3A_18 : memref<1x8192xi32, #tpu.memory_space<hbm>> -> memref<8192xi32, #tpu.memory_space<hbm>>
        tpu.enqueue_dma source(%arg5 : memref<8192xi32, #tpu.memory_space<vmem>>) target(%dma_start3A_19 : memref<8192xi32, #tpu.memory_space<hbm>>) target_semaphore(%run_scoped3A : memref<!tpu.dma_semaphore, #tpu.memory_space<semaphore_mem>>)
        %dma_wait3A = arith.constant 0 : i32
        %dma_wait3A_20 = tpu.memref_slice %arg3[%add3A, %dma_wait3A] : memref<4x8192xi32, #tpu.memory_space<hbm>> -> memref<1x8192xi32, #tpu.memory_space<hbm>>
        %dma_wait3A_21 = tpu.memref_squeeze %dma_wait3A_20 : memref<1x8192xi32, #tpu.memory_space<hbm>> -> memref<8192xi32, #tpu.memory_space<hbm>>
        %dma_wait3A_22 = arith.constant 0 : i32
        %dma_wait3A_23 = tpu.memref_slice %arg3[%add3A, %dma_wait3A_22] : memref<4x8192xi32, #tpu.memory_space<hbm>> -> memref<1x8192xi32, #tpu.memory_space<hbm>>
        %dma_wait3A_24 = tpu.memref_squeeze %dma_wait3A_23 : memref<1x8192xi32, #tpu.memory_space<hbm>> -> memref<8192xi32, #tpu.memory_space<hbm>>
        tpu.wait_dma2 semaphore(%run_scoped3A : memref<!tpu.dma_semaphore, #tpu.memory_space<semaphore_mem>>) src(%arg5 : memref<8192xi32, #tpu.memory_space<vmem>>) dst(%dma_wait3A_24 : memref<8192xi32, #tpu.memory_space<hbm>>)
        tpu.yield
      }) : () -> ()
    } else {
    }
    return
  }
}

module attributes {stable_mosaic.version = 14 : i64} {
  func.func @_score_kernel(%arg0: i32, %arg1: memref<4x1x384xf32, #tpu.memory_space<vmem>>, %arg2: memref<1x1xf32, #tpu.memory_space<vmem>>, %arg3: memref<4x1024x768xf32, #tpu.memory_space<vmem>>, %arg4: memref<4x1024xi32, #tpu.memory_space<vmem>>, %arg5: memref<768x384xf32, #tpu.memory_space<vmem>>, %arg6: memref<1x384xf32, #tpu.memory_space<vmem>>, %arg7: memref<4x1024xf32, #tpu.memory_space<vmem>>, %arg8: memref<4x1024xi32, #tpu.memory_space<vmem>>) attributes {dimension_semantics = [#tpu.dimension_semantics<arbitrary>], iteration_bounds = array<i64: 8>, scalar_prefetch = 0 : i64, scratch_operands = 0 : i64, tpu.core_type = #tpu.core_type<tc>, window_params = [{pipeline_mode = #tpu.pipeline_mode<synchronous>, transform_indices = @transform_0, window_bounds = array<i64: 4, 1, 384>}, {pipeline_mode = #tpu.pipeline_mode<synchronous>, transform_indices = @transform_1, window_bounds = array<i64: 1, 1>}, {transform_indices = @transform_2, window_bounds = array<i64: 4, 1024, 768>}, {transform_indices = @transform_3, window_bounds = array<i64: 4, 1024>}, {pipeline_mode = #tpu.pipeline_mode<synchronous>, transform_indices = @transform_4, window_bounds = array<i64: 768, 384>}, {pipeline_mode = #tpu.pipeline_mode<synchronous>, transform_indices = @transform_5, window_bounds = array<i64: 1, 384>}, {transform_indices = @transform_6, window_bounds = array<i64: 4, 1024>}, {transform_indices = @transform_7, window_bounds = array<i64: 4, 1024>}]} {
    %get3A = arith.constant 0 : index
    %get3A_0 = arith.constant 0 : index
    %get3A_1 = vector.load %arg5[%get3A, %get3A_0] : memref<768x384xf32, #tpu.memory_space<vmem>>, vector<768x384xf32>
    %get3A_2 = arith.constant 0 : index
    %get3A_3 = arith.constant 0 : index
    %get3A_4 = vector.load %arg6[%get3A_2, %get3A_3] : memref<1x384xf32, #tpu.memory_space<vmem>>, vector<1x384xf32>
    %get3A_5 = arith.constant 0 : index
    %get3A_6 = arith.constant 0 : index
    %get3A_7 = arith.constant 0 : index
    %get3A_8 = vector.load %arg3[%get3A_5, %get3A_6, %get3A_7] : memref<4x1024x768xf32, #tpu.memory_space<vmem>>, vector<1x1024x768xf32>
    %get3A_9 = vector.shape_cast %get3A_8 : vector<1x1024x768xf32> to vector<1024x768xf32>
    %dot_general3A = arith.constant dense<0.000000e+00> : vector<1024x384xf32>
    %dot_general3A_10 = tpu.matmul %get3A_9, %get3A_1, %dot_general3A {dimension_numbers = #tpu.dot_dimension_numbers<[1], [0], [0], [1], [0, 0, 1, 1], [], []>, transpose_lhs_hint = false} : vector<1024x768xf32>, vector<768x384xf32>, vector<1024x384xf32> -> vector<1024x384xf32>
    %get3A_11 = arith.constant 0 : index
    %get3A_12 = arith.constant 0 : index
    %get3A_13 = arith.constant 0 : index
    %get3A_14 = vector.load %arg1[%get3A_11, %get3A_12, %get3A_13] : memref<4x1x384xf32, #tpu.memory_space<vmem>>, vector<1x1x384xf32>
    %get3A_15 = vector.shape_cast %get3A_14 : vector<1x1x384xf32> to vector<1x384xf32>
    %add3A = vector.broadcast %get3A_15 : vector<1x384xf32> to vector<1024x384xf32>
    %add3A_16 = arith.addf %dot_general3A_10, %add3A : vector<1024x384xf32>
    %max3A = arith.constant 0.000000e+00 : f32
    %max3A_17 = vector.broadcast %max3A : f32 to vector<1024x384xf32>
    %max3A_18 = arith.maximumf %add3A_16, %max3A_17 : vector<1024x384xf32>
    %dot_general3A_19 = arith.constant dense<0.000000e+00> : vector<1x1024xf32>
    %dot_general3A_20 = tpu.matmul %get3A_4, %max3A_18, %dot_general3A_19 {dimension_numbers = #tpu.dot_dimension_numbers<[1], [1], [0], [0], [0, 0, 1, 0], [], []>, transpose_lhs_hint = false} : vector<1x384xf32>, vector<1024x384xf32>, vector<1x1024xf32> -> vector<1x1024xf32>
    %get3A_21 = arith.constant 0 : index
    %get3A_22 = arith.constant 0 : index
    %get3A_23 = vector.load %arg2[%get3A_21, %get3A_22] : memref<1x1xf32, #tpu.memory_space<vmem>>, vector<1x1xf32>
    %add3A_24 = vector.broadcast %get3A_23 : vector<1x1xf32> to vector<1x1024xf32>
    %add3A_25 = arith.addf %dot_general3A_20, %add3A_24 : vector<1x1024xf32>
    %get3A_26 = arith.constant 1 : index
    %get3A_27 = arith.constant 0 : index
    %get3A_28 = arith.constant 0 : index
    %get3A_29 = vector.load %arg3[%get3A_26, %get3A_27, %get3A_28] : memref<4x1024x768xf32, #tpu.memory_space<vmem>>, vector<1x1024x768xf32>
    %get3A_30 = vector.shape_cast %get3A_29 : vector<1x1024x768xf32> to vector<1024x768xf32>
    %dot_general3A_31 = arith.constant dense<0.000000e+00> : vector<1024x384xf32>
    %dot_general3A_32 = tpu.matmul %get3A_30, %get3A_1, %dot_general3A_31 {dimension_numbers = #tpu.dot_dimension_numbers<[1], [0], [0], [1], [0, 0, 1, 1], [], []>, transpose_lhs_hint = false} : vector<1024x768xf32>, vector<768x384xf32>, vector<1024x384xf32> -> vector<1024x384xf32>
    %get3A_33 = arith.constant 1 : index
    %get3A_34 = arith.constant 0 : index
    %get3A_35 = arith.constant 0 : index
    %get3A_36 = vector.load %arg1[%get3A_33, %get3A_34, %get3A_35] : memref<4x1x384xf32, #tpu.memory_space<vmem>>, vector<1x1x384xf32>
    %get3A_37 = vector.shape_cast %get3A_36 : vector<1x1x384xf32> to vector<1x384xf32>
    %add3A_38 = vector.broadcast %get3A_37 : vector<1x384xf32> to vector<1024x384xf32>
    %add3A_39 = arith.addf %dot_general3A_32, %add3A_38 : vector<1024x384xf32>
    %max3A_40 = arith.constant 0.000000e+00 : f32
    %max3A_41 = vector.broadcast %max3A_40 : f32 to vector<1024x384xf32>
    %max3A_42 = arith.maximumf %add3A_39, %max3A_41 : vector<1024x384xf32>
    %dot_general3A_43 = arith.constant dense<0.000000e+00> : vector<1x1024xf32>
    %dot_general3A_44 = tpu.matmul %get3A_4, %max3A_42, %dot_general3A_43 {dimension_numbers = #tpu.dot_dimension_numbers<[1], [1], [0], [0], [0, 0, 1, 0], [], []>, transpose_lhs_hint = false} : vector<1x384xf32>, vector<1024x384xf32>, vector<1x1024xf32> -> vector<1x1024xf32>
    %get3A_45 = arith.constant 0 : index
    %get3A_46 = arith.constant 0 : index
    %get3A_47 = vector.load %arg2[%get3A_45, %get3A_46] : memref<1x1xf32, #tpu.memory_space<vmem>>, vector<1x1xf32>
    %add3A_48 = vector.broadcast %get3A_47 : vector<1x1xf32> to vector<1x1024xf32>
    %add3A_49 = arith.addf %dot_general3A_44, %add3A_48 : vector<1x1024xf32>
    %get3A_50 = arith.constant 2 : index
    %get3A_51 = arith.constant 0 : index
    %get3A_52 = arith.constant 0 : index
    %get3A_53 = vector.load %arg3[%get3A_50, %get3A_51, %get3A_52] : memref<4x1024x768xf32, #tpu.memory_space<vmem>>, vector<1x1024x768xf32>
    %get3A_54 = vector.shape_cast %get3A_53 : vector<1x1024x768xf32> to vector<1024x768xf32>
    %dot_general3A_55 = arith.constant dense<0.000000e+00> : vector<1024x384xf32>
    %dot_general3A_56 = tpu.matmul %get3A_54, %get3A_1, %dot_general3A_55 {dimension_numbers = #tpu.dot_dimension_numbers<[1], [0], [0], [1], [0, 0, 1, 1], [], []>, transpose_lhs_hint = false} : vector<1024x768xf32>, vector<768x384xf32>, vector<1024x384xf32> -> vector<1024x384xf32>
    %get3A_57 = arith.constant 2 : index
    %get3A_58 = arith.constant 0 : index
    %get3A_59 = arith.constant 0 : index
    %get3A_60 = vector.load %arg1[%get3A_57, %get3A_58, %get3A_59] : memref<4x1x384xf32, #tpu.memory_space<vmem>>, vector<1x1x384xf32>
    %get3A_61 = vector.shape_cast %get3A_60 : vector<1x1x384xf32> to vector<1x384xf32>
    %add3A_62 = vector.broadcast %get3A_61 : vector<1x384xf32> to vector<1024x384xf32>
    %add3A_63 = arith.addf %dot_general3A_56, %add3A_62 : vector<1024x384xf32>
    %max3A_64 = arith.constant 0.000000e+00 : f32
    %max3A_65 = vector.broadcast %max3A_64 : f32 to vector<1024x384xf32>
    %max3A_66 = arith.maximumf %add3A_63, %max3A_65 : vector<1024x384xf32>
    %dot_general3A_67 = arith.constant dense<0.000000e+00> : vector<1x1024xf32>
    %dot_general3A_68 = tpu.matmul %get3A_4, %max3A_66, %dot_general3A_67 {dimension_numbers = #tpu.dot_dimension_numbers<[1], [1], [0], [0], [0, 0, 1, 0], [], []>, transpose_lhs_hint = false} : vector<1x384xf32>, vector<1024x384xf32>, vector<1x1024xf32> -> vector<1x1024xf32>
    %get3A_69 = arith.constant 0 : index
    %get3A_70 = arith.constant 0 : index
    %get3A_71 = vector.load %arg2[%get3A_69, %get3A_70] : memref<1x1xf32, #tpu.memory_space<vmem>>, vector<1x1xf32>
    %add3A_72 = vector.broadcast %get3A_71 : vector<1x1xf32> to vector<1x1024xf32>
    %add3A_73 = arith.addf %dot_general3A_68, %add3A_72 : vector<1x1024xf32>
    %get3A_74 = arith.constant 3 : index
    %get3A_75 = arith.constant 0 : index
    %get3A_76 = arith.constant 0 : index
    %get3A_77 = vector.load %arg3[%get3A_74, %get3A_75, %get3A_76] : memref<4x1024x768xf32, #tpu.memory_space<vmem>>, vector<1x1024x768xf32>
    %get3A_78 = vector.shape_cast %get3A_77 : vector<1x1024x768xf32> to vector<1024x768xf32>
    %dot_general3A_79 = arith.constant dense<0.000000e+00> : vector<1024x384xf32>
    %dot_general3A_80 = tpu.matmul %get3A_78, %get3A_1, %dot_general3A_79 {dimension_numbers = #tpu.dot_dimension_numbers<[1], [0], [0], [1], [0, 0, 1, 1], [], []>, transpose_lhs_hint = false} : vector<1024x768xf32>, vector<768x384xf32>, vector<1024x384xf32> -> vector<1024x384xf32>
    %get3A_81 = arith.constant 3 : index
    %get3A_82 = arith.constant 0 : index
    %get3A_83 = arith.constant 0 : index
    %get3A_84 = vector.load %arg1[%get3A_81, %get3A_82, %get3A_83] : memref<4x1x384xf32, #tpu.memory_space<vmem>>, vector<1x1x384xf32>
    %get3A_85 = vector.shape_cast %get3A_84 : vector<1x1x384xf32> to vector<1x384xf32>
    %add3A_86 = vector.broadcast %get3A_85 : vector<1x384xf32> to vector<1024x384xf32>
    %add3A_87 = arith.addf %dot_general3A_80, %add3A_86 : vector<1024x384xf32>
    %max3A_88 = arith.constant 0.000000e+00 : f32
    %max3A_89 = vector.broadcast %max3A_88 : f32 to vector<1024x384xf32>
    %max3A_90 = arith.maximumf %add3A_87, %max3A_89 : vector<1024x384xf32>
    %dot_general3A_91 = arith.constant dense<0.000000e+00> : vector<1x1024xf32>
    %dot_general3A_92 = tpu.matmul %get3A_4, %max3A_90, %dot_general3A_91 {dimension_numbers = #tpu.dot_dimension_numbers<[1], [1], [0], [0], [0, 0, 1, 0], [], []>, transpose_lhs_hint = false} : vector<1x384xf32>, vector<1024x384xf32>, vector<1x1024xf32> -> vector<1x1024xf32>
    %get3A_93 = arith.constant 0 : index
    %get3A_94 = arith.constant 0 : index
    %get3A_95 = vector.load %arg2[%get3A_93, %get3A_94] : memref<1x1xf32, #tpu.memory_space<vmem>>, vector<1x1xf32>
    %add3A_96 = vector.broadcast %get3A_95 : vector<1x1xf32> to vector<1x1024xf32>
    %add3A_97 = arith.addf %dot_general3A_92, %add3A_96 : vector<1x1024xf32>
    %concatenate3A = tpu.concatenate %add3A_25, %add3A_49, %add3A_73, %add3A_97 in 0 : vector<1x1024xf32>, vector<1x1024xf32>, vector<1x1024xf32>, vector<1x1024xf32> -> vector<4x1024xf32>
    %logistic3A = arith.negf %concatenate3A : vector<4x1024xf32>
    %logistic3A_98 = math.exp %logistic3A : vector<4x1024xf32>
    %logistic3A_99 = arith.constant 1.000000e+00 : f32
    %logistic3A_100 = vector.broadcast %logistic3A_99 : f32 to vector<4x1024xf32>
    %logistic3A_101 = arith.addf %logistic3A_100, %logistic3A_98 : vector<4x1024xf32>
    %logistic3A_102 = arith.divf %logistic3A_100, %logistic3A_101 : vector<4x1024xf32>
    %swap3A = arith.constant 0 : index
    %swap3A_103 = arith.constant 0 : index
    %swap3A_104 = vector.load %arg7[%swap3A, %swap3A_103] : memref<4x1024xf32, #tpu.memory_space<vmem>>, vector<4x1024xf32>
    tpu.vector_store %arg7[%swap3A, %swap3A_103], %logistic3A_102 {strides = array<i32>} : memref<4x1024xf32, #tpu.memory_space<vmem>>, vector<4x1024xf32>,
    %gt3A = arith.constant 5.000000e-01 : f32
    %gt3A_105 = vector.broadcast %gt3A : f32 to vector<4x1024xf32>
    %gt3A_106 = arith.cmpf ogt, %logistic3A_102, %gt3A_105 : vector<4x1024xf32>
    %get3A_107 = arith.constant 0 : index
    %get3A_108 = arith.constant 0 : index
    %get3A_109 = vector.load %arg4[%get3A_107, %get3A_108] : memref<4x1024xi32, #tpu.memory_space<vmem>>, vector<4x1024xi32>
    %eq3A = arith.constant 0 : i32
    %eq3A_110 = vector.broadcast %eq3A : i32 to vector<4x1024xi32>
    %eq3A_111 = arith.cmpi eq, %get3A_109, %eq3A_110 : vector<4x1024xi32>
    %and3A = arith.andi %gt3A_106, %eq3A_111 : vector<4x1024xi1>
    %bitcast_convert_type3A = tpu.bitcast %logistic3A_102 : vector<4x1024xf32> -> vector<4x1024xi32>
    %jit3A = arith.constant 2139095040 : i32
    %broadcast_in_dim3A = vector.broadcast %jit3A : i32 to vector<4x1024xi32>
    %select_n3A = arith.select %and3A, %bitcast_convert_type3A, %broadcast_in_dim3A : vector<4x1024xi1>, vector<4x1024xi32>
    %swap3A_112 = arith.constant 0 : index
    %swap3A_113 = arith.constant 0 : index
    %swap3A_114 = vector.load %arg8[%swap3A_112, %swap3A_113] : memref<4x1024xi32, #tpu.memory_space<vmem>>, vector<4x1024xi32>
    tpu.vector_store %arg8[%swap3A_112, %swap3A_113], %select_n3A {strides = array<i32>} : memref<4x1024xi32, #tpu.memory_space<vmem>>, vector<4x1024xi32>,
    return
  }
  func.func @transform_0(%arg0: i32) -> (i32, i32, i32) {
    %c0_i32 = arith.constant 0 : i32
    %c0_i32_0 = arith.constant 0 : i32
    %c0_i32_1 = arith.constant 0 : i32
    %c0_i32_2 = arith.constant 0 : i32
    return %c0_i32, %c0_i32_0, %c0_i32_1 : i32, i32, i32
  }
  func.func @transform_1(%arg0: i32) -> (i32, i32) {
    %c0_i32 = arith.constant 0 : i32
    %c0_i32_0 = arith.constant 0 : i32
    %c0_i32_1 = arith.constant 0 : i32
    return %c0_i32, %c0_i32_0 : i32, i32
  }
  func.func @transform_2(%arg0: i32) -> (i32, i32, i32) {
    %c0_i32 = arith.constant 0 : i32
    %c0_i32_0 = arith.constant 0 : i32
    %c0_i32_1 = arith.constant 0 : i32
    return %c0_i32, %arg0, %c0_i32_0 : i32, i32, i32
  }
  func.func @transform_3(%arg0: i32) -> (i32, i32) {
    %c0_i32 = arith.constant 0 : i32
    %c0_i32_0 = arith.constant 0 : i32
    return %c0_i32, %arg0 : i32, i32
  }
  func.func @transform_4(%arg0: i32) -> (i32, i32) {
    %c0_i32 = arith.constant 0 : i32
    %c0_i32_0 = arith.constant 0 : i32
    %c0_i32_1 = arith.constant 0 : i32
    return %c0_i32, %c0_i32_0 : i32, i32
  }
  func.func @transform_5(%arg0: i32) -> (i32, i32) {
    %c0_i32 = arith.constant 0 : i32
    %c0_i32_0 = arith.constant 0 : i32
    %c0_i32_1 = arith.constant 0 : i32
    return %c0_i32, %c0_i32_0 : i32, i32
  }
  func.func @transform_6(%arg0: i32) -> (i32, i32) {
    %c0_i32 = arith.constant 0 : i32
    %c0_i32_0 = arith.constant 0 : i32
    return %c0_i32, %arg0 : i32, i32
  }
  func.func @transform_7(%arg0: i32) -> (i32, i32) {
    %c0_i32 = arith.constant 0 : i32
    %c0_i32_0 = arith.constant 0 : i32
    return %c0_i32, %arg0 : i32, i32
  }
}

module attributes {stable_mosaic.version = 14 : i64} {
  func.func @_prelude_kernel(%arg0: i32, %arg1: memref<1x1x1xf32, #tpu.memory_space<vmem>>, %arg2: memref<1x384xf32, #tpu.memory_space<vmem>>, %arg3: memref<1x2048x768xf32, #tpu.memory_space<vmem>>, %arg4: memref<768x192xf32, #tpu.memory_space<vmem>>, %arg5: memref<1x192xf32, #tpu.memory_space<vmem>>, %arg6: memref<768x768xf32, #tpu.memory_space<vmem>>, %arg7: memref<1x768xf32, #tpu.memory_space<vmem>>, %arg8: memref<192x384xf32, #tpu.memory_space<vmem>>, %arg9: memref<768x384xf32, #tpu.memory_space<vmem>>, %arg10: memref<1x384xf32, #tpu.memory_space<vmem>>, %arg11: memref<1x1x384xf32, #tpu.memory_space<vmem>>) attributes {dimension_semantics = [#tpu.dimension_semantics<arbitrary>], iteration_bounds = array<i64: 4>, scalar_prefetch = 0 : i64, scratch_operands = 0 : i64, tpu.core_type = #tpu.core_type<tc>, window_params = [{transform_indices = @transform_0, window_bounds = array<i64: 1, 1, 1>}, {pipeline_mode = #tpu.pipeline_mode<synchronous>, transform_indices = @transform_1, window_bounds = array<i64: 1, 384>}, {transform_indices = @transform_2, window_bounds = array<i64: 1, 2048, 768>}, {pipeline_mode = #tpu.pipeline_mode<synchronous>, transform_indices = @transform_3, window_bounds = array<i64: 768, 192>}, {pipeline_mode = #tpu.pipeline_mode<synchronous>, transform_indices = @transform_4, window_bounds = array<i64: 1, 192>}, {pipeline_mode = #tpu.pipeline_mode<synchronous>, transform_indices = @transform_5, window_bounds = array<i64: 768, 768>}, {pipeline_mode = #tpu.pipeline_mode<synchronous>, transform_indices = @transform_6, window_bounds = array<i64: 1, 768>}, {pipeline_mode = #tpu.pipeline_mode<synchronous>, transform_indices = @transform_7, window_bounds = array<i64: 192, 384>}, {pipeline_mode = #tpu.pipeline_mode<synchronous>, transform_indices = @transform_8, window_bounds = array<i64: 768, 384>}, {pipeline_mode = #tpu.pipeline_mode<synchronous>, transform_indices = @transform_9, window_bounds = array<i64: 1, 384>}, {transform_indices = @transform_10, window_bounds = array<i64: 1, 1, 384>}]} {
    %get3A = arith.constant 0 : index
    %get3A_0 = arith.constant 0 : index
    %get3A_1 = arith.constant 0 : index
    %get3A_2 = vector.load %arg3[%get3A, %get3A_0, %get3A_1] : memref<1x2048x768xf32, #tpu.memory_space<vmem>>, vector<1x2048x768xf32>
    %get3A_3 = vector.shape_cast %get3A_2 : vector<1x2048x768xf32> to vector<2048x768xf32>
    %reduce_sum3A = arith.constant dense<0.000000e+00> : vector<768xf32>
    %reduce_sum3A_4 = vector.multi_reduction <add>, %get3A_3, %reduce_sum3A [0] : vector<2048x768xf32> to vector<768xf32>
    %broadcast_in_dim3A = vector.shape_cast %reduce_sum3A_4 : vector<768xf32> to vector<1x768xf32>
    %div3A = arith.constant 2.048000e+03 : f32
    %div3A_5 = vector.broadcast %div3A : f32 to vector<1x768xf32>
    %div3A_6 = arith.divf %broadcast_in_dim3A, %div3A_5 : vector<1x768xf32>
    %get3A_7 = arith.constant 0 : index
    %get3A_8 = arith.constant 0 : index
    %get3A_9 = vector.load %arg4[%get3A_7, %get3A_8] : memref<768x192xf32, #tpu.memory_space<vmem>>, vector<768x192xf32>
    %dot_general3A = arith.constant dense<0.000000e+00> : vector<1x192xf32>
    %dot_general3A_10 = tpu.matmul %div3A_6, %get3A_9, %dot_general3A {dimension_numbers = #tpu.dot_dimension_numbers<[1], [0], [0], [1], [0, 0, 1, 1], [], []>, transpose_lhs_hint = false} : vector<1x768xf32>, vector<768x192xf32>, vector<1x192xf32> -> vector<1x192xf32>
    %get3A_11 = arith.constant 0 : index
    %get3A_12 = arith.constant 0 : index
    %get3A_13 = vector.load %arg5[%get3A_11, %get3A_12] : memref<1x192xf32, #tpu.memory_space<vmem>>, vector<1x192xf32>
    %add3A = arith.addf %dot_general3A_10, %get3A_13 : vector<1x192xf32>
    %get3A_14 = arith.constant 0 : index
    %get3A_15 = arith.constant 0 : index
    %get3A_16 = arith.constant 0 : index
    %get3A_17 = vector.load %arg1[%get3A_14, %get3A_15, %get3A_16] : memref<1x1x1xf32, #tpu.memory_space<vmem>>, vector<1x1x1xf32>
    %get3A_18 = vector.shape_cast %get3A_17 : vector<1x1x1xf32> to vector<1x1xf32>
    %get3A_19 = arith.constant 0 : index
    %get3A_20 = arith.constant 0 : index
    %get3A_21 = vector.load %arg2[%get3A_19, %get3A_20] : memref<1x384xf32, #tpu.memory_space<vmem>>, vector<1x384xf32>
    %mul3A = vector.broadcast %get3A_18 : vector<1x1xf32> to vector<1x384xf32>
    %mul3A_22 = arith.mulf %mul3A, %get3A_21 : vector<1x384xf32>
    %sin3A = math.sin %mul3A_22 : vector<1x384xf32>
    %cos3A = math.cos %mul3A_22 : vector<1x384xf32>
    %concatenate3A = tpu.concatenate %sin3A, %cos3A in 1 : vector<1x384xf32>, vector<1x384xf32> -> vector<1x768xf32>
    %get3A_23 = arith.constant 0 : index
    %get3A_24 = arith.constant 0 : index
    %get3A_25 = vector.load %arg6[%get3A_23, %get3A_24] : memref<768x768xf32, #tpu.memory_space<vmem>>, vector<768x768xf32>
    %dot_general3A_26 = arith.constant dense<0.000000e+00> : vector<1x768xf32>
    %dot_general3A_27 = tpu.matmul %concatenate3A, %get3A_25, %dot_general3A_26 {dimension_numbers = #tpu.dot_dimension_numbers<[1], [0], [0], [1], [0, 0, 1, 1], [], []>, transpose_lhs_hint = false} : vector<1x768xf32>, vector<768x768xf32>, vector<1x768xf32> -> vector<1x768xf32>
    %get3A_28 = arith.constant 0 : index
    %get3A_29 = arith.constant 0 : index
    %get3A_30 = vector.load %arg7[%get3A_28, %get3A_29] : memref<1x768xf32, #tpu.memory_space<vmem>>, vector<1x768xf32>
    %add3A_31 = arith.addf %dot_general3A_27, %get3A_30 : vector<1x768xf32>
    %get3A_32 = arith.constant 0 : index
    %get3A_33 = arith.constant 0 : index
    %get3A_34 = vector.load %arg10[%get3A_32, %get3A_33] : memref<1x384xf32, #tpu.memory_space<vmem>>, vector<1x384xf32>
    %get3A_35 = arith.constant 0 : index
    %get3A_36 = arith.constant 0 : index
    %get3A_37 = vector.load %arg8[%get3A_35, %get3A_36] : memref<192x384xf32, #tpu.memory_space<vmem>>, vector<192x384xf32>
    %dot_general3A_38 = arith.constant dense<0.000000e+00> : vector<1x384xf32>
    %dot_general3A_39 = tpu.matmul %add3A, %get3A_37, %dot_general3A_38 {dimension_numbers = #tpu.dot_dimension_numbers<[1], [0], [0], [1], [0, 0, 1, 1], [], []>, transpose_lhs_hint = false} : vector<1x192xf32>, vector<192x384xf32>, vector<1x384xf32> -> vector<1x384xf32>
    %add3A_40 = arith.addf %get3A_34, %dot_general3A_39 : vector<1x384xf32>
    %get3A_41 = arith.constant 0 : index
    %get3A_42 = arith.constant 0 : index
    %get3A_43 = vector.load %arg9[%get3A_41, %get3A_42] : memref<768x384xf32, #tpu.memory_space<vmem>>, vector<768x384xf32>
    %dot_general3A_44 = arith.constant dense<0.000000e+00> : vector<1x384xf32>
    %dot_general3A_45 = tpu.matmul %add3A_31, %get3A_43, %dot_general3A_44 {dimension_numbers = #tpu.dot_dimension_numbers<[1], [0], [0], [1], [0, 0, 1, 1], [], []>, transpose_lhs_hint = false} : vector<1x768xf32>, vector<768x384xf32>, vector<1x384xf32> -> vector<1x384xf32>
    %add3A_46 = arith.addf %add3A_40, %dot_general3A_45 : vector<1x384xf32>
    %swap3A = arith.constant 0 : index
    %swap3A_47 = arith.constant 0 : index
    %swap3A_48 = arith.constant 0 : index
    %swap3A_49 = vector.load %arg11[%swap3A, %swap3A_47, %swap3A_48] : memref<1x1x384xf32, #tpu.memory_space<vmem>>, vector<1x1x384xf32>
    %swap3A_50 = vector.shape_cast %swap3A_49 : vector<1x1x384xf32> to vector<1x384xf32>
    %swap3A_51 = vector.shape_cast %add3A_46 : vector<1x384xf32> to vector<1x1x384xf32>
    tpu.vector_store %arg11[%swap3A, %swap3A_47, %swap3A_48], %swap3A_51 {strides = array<i32>} : memref<1x1x384xf32, #tpu.memory_space<vmem>>, vector<1x1x384xf32>,
    return
  }
  func.func @transform_0(%arg0: i32) -> (i32, i32, i32) {
    %c0_i32 = arith.constant 0 : i32
    %c0_i32_0 = arith.constant 0 : i32
    %c0_i32_1 = arith.constant 0 : i32
    return %arg0, %c0_i32, %c0_i32_0 : i32, i32, i32
  }
  func.func @transform_1(%arg0: i32) -> (i32, i32) {
    %c0_i32 = arith.constant 0 : i32
    %c0_i32_0 = arith.constant 0 : i32
    %c0_i32_1 = arith.constant 0 : i32
    return %c0_i32, %c0_i32_0 : i32, i32
  }
  func.func @transform_2(%arg0: i32) -> (i32, i32, i32) {
    %c0_i32 = arith.constant 0 : i32
    %c0_i32_0 = arith.constant 0 : i32
    %c0_i32_1 = arith.constant 0 : i32
    return %arg0, %c0_i32, %c0_i32_0 : i32, i32, i32
  }
  func.func @transform_3(%arg0: i32) -> (i32, i32) {
    %c0_i32 = arith.constant 0 : i32
    %c0_i32_0 = arith.constant 0 : i32
    %c0_i32_1 = arith.constant 0 : i32
    return %c0_i32, %c0_i32_0 : i32, i32
  }
  func.func @transform_4(%arg0: i32) -> (i32, i32) {
    %c0_i32 = arith.constant 0 : i32
    %c0_i32_0 = arith.constant 0 : i32
    %c0_i32_1 = arith.constant 0 : i32
    return %c0_i32, %c0_i32_0 : i32, i32
  }
  func.func @transform_5(%arg0: i32) -> (i32, i32) {
    %c0_i32 = arith.constant 0 : i32
    %c0_i32_0 = arith.constant 0 : i32
    %c0_i32_1 = arith.constant 0 : i32
    return %c0_i32, %c0_i32_0 : i32, i32
  }
  func.func @transform_6(%arg0: i32) -> (i32, i32) {
    %c0_i32 = arith.constant 0 : i32
    %c0_i32_0 = arith.constant 0 : i32
    %c0_i32_1 = arith.constant 0 : i32
    return %c0_i32, %c0_i32_0 : i32, i32
  }
  func.func @transform_7(%arg0: i32) -> (i32, i32) {
    %c0_i32 = arith.constant 0 : i32
    %c0_i32_0 = arith.constant 0 : i32
    %c0_i32_1 = arith.constant 0 : i32
    return %c0_i32, %c0_i32_0 : i32, i32
  }
  func.func @transform_8(%arg0: i32) -> (i32, i32) {
    %c0_i32 = arith.constant 0 : i32
    %c0_i32_0 = arith.constant 0 : i32
    %c0_i32_1 = arith.constant 0 : i32
    return %c0_i32, %c0_i32_0 : i32, i32
  }
  func.func @transform_9(%arg0: i32) -> (i32, i32) {
    %c0_i32 = arith.constant 0 : i32
    %c0_i32_0 = arith.constant 0 : i32
    %c0_i32_1 = arith.constant 0 : i32
    return %c0_i32, %c0_i32_0 : i32, i32
  }
  func.func @transform_10(%arg0: i32) -> (i32, i32, i32) {
    %c0_i32 = arith.constant 0 : i32
    %c0_i32_0 = arith.constant 0 : i32
    %c0_i32_1 = arith.constant 0 : i32
    return %arg0, %c0_i32, %c0_i32_0 : i32, i32, i32
  }
}

</mosaic_0001>

<sc_bundles>
// kernel: kernel.5.cloned.1.call-start
scs
__scs_entry_jumppad:
0x0: {  	(pc) =	sbr.rel $0x88, $3  }
0x1: {  	(tag) =	ssettag $0x0;
	lr =	simm.s32 $0x1  }
0x2: {  	[smem:$0x3F94] =	sst lr;
	_ =	strace $0xD0000000  }
0x3: {  	_ = 	snop  }
0x4: {  	_ = 	snop  }
0x5: {  	_ = 	snop  }
0x6: {  	_ = 	snop  }
0x7: {  	_ = 	snop  }
__scs_overlays_trampoline_lowered:
0x8: {  	[smem:$0x3FA3] =	sst s0  }
0x9: {  	[smem:$0x3FA4] =	sst s1  }
0xa: {  	[smem:$0x3FA5] =	sst s2  }
0xb: {  	[smem:$0x3FA6] =	sst s3  }
0xc: {  	[smem:$0x3FA7] =	sst s4  }
0xd: {  	[smem:$0x3FA8] =	sst s5  }
0xe: {  	[smem:$0x3FA9] =	sst s6  }
0xf: {  	[smem:$0x3FAA] =	sst s7  }
0x10: {  	[smem:$0x3FAB] =	sst s8  }
0x11: {  	[smem:$0x3FAC] =	sst s9;
	s0 =	simm.s32 @!p0 $0x0  }
0x12: {  	s1 =	sld [smem:$0x3F92];
	s0 =	simm.s32 @p0 $0x1  }
0x13: {  	[smem:$0x3FAD] =	sst s0;
	s0 =	simm.s32 @!p1 $0x0  }
0x14: {  	s2 =	sld [smem:$0x3F91];
	s0 =	simm.s32 @p1 $0x1  }
0x15: {  	[smem:$0x3FAE] =	sst s0;
	s0 =	simm.s32 @!p2 $0x0  }
0x16: {  	s3 =	sld [smem:$0x3FDB];
	s0 =	simm.s32 @p2 $0x1  }
0x17: {  	s4 =	simm.s32 $0x1BF5;
	[smem:$0x3FB0] =	sst s0  }
0x18: {  	s0 =	sld [smem:$0x3F93];
	_ =	swait.ge [sflag:s4], $0x0  }
0x19: {  	s7 =	sld [smem:$0x3F94]  }
0x1a: {  	s8 =	sadd.s32 $0xFFFFE003, lr  }
0x1b: {  	s9 =	sadd.s32 $0xFFFFFEF7, lr;
	s5 =	simm.s32 $0xFFFFFFFF;
	p2 =	slt.u32 s8, $0xFFFFF086  }
0x1c: {  	p1 =	slt.u32 s9, $0xF7A;
	s5 =	simm.s32 @!p2 $0x0  }
0x1d: {  	s5 =	simm.s32 @p1 $0x1;
	p0 =	seq.s32 s7, s2  }
0x1e: {  	s7 =	smul.u32 @!p0 $0xF7A, s2;
	p2 =	seq.s32 @!p0 s5, $0x0  }
0x1f: {  	s9 =	smul.u32 $0xF7A, s1;
	s8 =	simm.s32 @!p0 $0x1BF5;
	p2 =	por !p2, p0  }
0x20: {  	[sflag:s8] =	ssyncset.s32 @!p0 $0xFFFFF086;
	s6 =	sadd.s32 @!p0 s3, s7;
	s7 =	simm.s32 @!p0 $0x108  }
0x21: {  	s3 =	sadd.s32 s3, s9;
	s6 =	sadd.s32 @!p0 $0x88, s6;
	s7 =	simm.s32 @p2 $0x1082  }
0x22: {  	[simem:s7], [sflag:s8] =	dma.local @!p0 [hbm:s6], $0xF7A  }
0x23: {  	s9 =	sor.u32 $0xD0000000, s2;
	s6 =	simm.s32 $0x108;
	_ =	swait.ge @!p0 [sflag:s8], $0x0  }
0x24: {  	s3 =	sadd.s32 $0x88, s3;
	s6 =	simm.s32 @!p1 $0x1082;
	[sflag:s4] =	ssyncset.s32 $0xFFFFF086  }
0x25: {  	[simem:s6], [sflag:s4] =	dma.local [hbm:s3], $0xF7A  }
0x26: {  	[smem:$0x3F94] =	sst s1;
	(tag) =	ssettag s2;
	_ =	strace s9  }
0x27: {  	s1 =	sld [smem:$0x3FA4]  }
0x28: {  	s2 =	sld [smem:$0x3FA5]  }
0x29: {  	s4 =	sld [smem:$0x3FA7]  }
0x2a: {  	p0 =	seq.s32 s5, $0x0;
	s5 =	sld [smem:$0x3FA8]  }
0x2b: {  	s6 =	sld [smem:$0x3FA9]  }
0x2c: {  	s7 =	sld [smem:$0x3FAA]  }
0x2d: {  	s3 =	simm.s32 $0x108;
	s8 =	sld [smem:$0x3FAB]  }
0x2e: {  	s3 =	simm.s32 @!p0 $0x1082;
	s9 =	sld [smem:$0x3FAC]  }
0x2f: {  	lr =	sadd.s32 s0, s3;
	s0 =	sld [smem:$0x3FA3]  }
0x30: {  	s3 =	sld [smem:$0x3FA6]  }
0x31: {  	[smem:$0x3FAF] =	sst s10  }
0x32: {  	s10 =	sld [smem:$0x3FAD];
	_ =	sdelay $0x3  }
0x33: {  	p0 =	seq.s32 s10, $0x1;
	s10 =	sld [smem:$0x3FAF];
	_ =	sdelay $0x3  }
0x34: {  	[smem:$0x3FAF] =	sst s10  }
0x35: {  	s10 =	sld [smem:$0x3FAE];
	_ =	sdelay $0x3  }
0x36: {  	p1 =	seq.s32 s10, $0x1;
	s10 =	sld [smem:$0x3FAF];
	_ =	sdelay $0x3  }
0x37: {  	[smem:$0x3FAF] =	sst s10  }
0x38: {  	s10 =	sld [smem:$0x3FB0]  }
0x39: {  	_ = 	snop;
	(pc) =	sbr.ind lr, $3  }
0x3a: {  	_ = 	snop  }
0x3b: {  	_ = 	snop  }
0x3c: {  	p2 =	seq.s32 s10, $0x1;
	s10 =	sld [smem:$0x3FAF]  }
0x3d: {  	_ =	shalt  }
0x3e: {  	_ =	shalt  }
0x3f: {  	_ =	shalt  }
0x40: {  	_ =	shalt  }
0x41: {  	_ =	shalt  }
0x42: {  	_ =	shalt  }
0x43: {  	_ =	shalt  }
0x44: {  	_ =	shalt  }
0x45: {  	_ =	shalt  }
0x46: {  	_ =	shalt  }
0x47: {  	_ =	shalt  }
0x48: {  	_ =	shalt  }
0x49: {  	_ =	shalt  }
0x4a: {  	_ =	shalt  }
0x4b: {  	_ =	shalt  }
0x4c: {  	_ =	shalt  }
0x4d: {  	_ =	shalt  }
0x4e: {  	_ =	shalt  }
0x4f: {  	_ =	shalt  }
0x50: {  	_ =	shalt  }
0x51: {  	_ =	shalt  }
0x52: {  	_ =	shalt  }
0x53: {  	_ =	shalt  }
0x54: {  	_ =	shalt  }
0x55: {  	_ =	shalt  }
0x56: {  	_ =	shalt  }
0x57: {  	_ =	shalt  }
0x58: {  	_ =	shalt  }
0x59: {  	_ =	shalt  }
0x5a: {  	_ =	shalt  }
0x5b: {  	_ =	shalt  }
0x5c: {  	_ =	shalt  }
0x5d: {  	_ =	shalt  }
0x5e: {  	_ =	shalt  }
0x5f: {  	_ =	shalt  }
0x60: {  	_ =	shalt  }
0x61: {  	_ =	shalt  }
0x62: {  	_ =	shalt  }
0x63: {  	_ =	shalt  }
0x64: {  	_ =	shalt  }
0x65: {  	_ =	shalt  }
0x66: {  	_ =	shalt  }
0x67: {  	_ =	shalt  }
0x68: {  	_ =	shalt  }
0x69: {  	_ =	shalt  }
0x6a: {  	_ =	shalt  }
0x6b: {  	_ =	shalt  }
0x6c: {  	_ =	shalt  }
0x6d: {  	_ =	shalt  }
0x6e: {  	_ =	shalt  }
0x6f: {  	_ =	shalt  }
0x70: {  	_ =	shalt  }
0x71: {  	_ =	shalt  }
0x72: {  	_ =	shalt  }
0x73: {  	_ =	shalt  }
0x74: {  	_ =	shalt  }
0x75: {  	_ =	shalt  }
0x76: {  	_ =	shalt  }
0x77: {  	_ =	shalt  }
0x78: {  	_ =	shalt  }
0x79: {  	_ =	shalt  }
0x7a: {  	_ =	shalt  }
0x7b: {  	_ =	shalt  }
0x7c: {  	_ =	shalt  }
0x7d: {  	_ =	shalt  }
0x7e: {  	_ =	shalt  }
0x7f: {  	_ =	shalt  }
0x80: {  	_ =	shalt  }
0x81: {  	_ =	shalt  }
0x82: {  	_ =	shalt  }
0x83: {  	_ =	shalt  }
0x84: {  	_ =	shalt  }
0x85: {  	_ =	shalt  }
0x86: {  	_ =	shalt  }
0x87: {  	_ =	shalt  }
.Lfunc_end0:
.L_simem_size_0:
called_computation_lowered:
.L_overlay_start_0:
0x88: {  	s2 =	sld [smem:$0x3FD9]  }
0x89: {  	s3 =	sld [smem:$0x3FFE];
	_ =	sdelay $0x1  }
0x8a: {  	s1 =	srdreg.scid  }
0x8b: {  	s0 =	sand.u32 $0x1, s1  }
0x8c: {  	s16 =	sshll.u32 s0, $0xA;
	s2 =	sadd.s32 s3, s2  }
0x8d: {  	s2 =	sadd.s32 s2, s16  }
0x8e: {  	[smem:$0x3FBB] =	sst s2  }
0x8f: {  	_ = 	snop  }
0x90: {  	(tm) =	ssettm $0x1  }
0x91: {  	s17 =	sld [smem:$0x3FFB];
	_ =	sdelay $0x3  }
0x92: {  	_ =	strace s17  }
0x93: {  	s2 =	sld [smem:$0x3FFC];
	_ =	sdelay $0x3  }
0x94: {  	_ =	strace s2  }
0x95: {  	s2 =	sld [smem:$0x3FFD];
	_ =	sdelay $0x3  }
0x96: {  	_ =	strace s2  }
0x97: {  	_ =	strace $0x8FFFFFFF  }
0x98: {  	s18 =	sld [smem:$0x3FDB];
	_ =	sdelay $0x1  }
0x99: {  	s19 =	simm.s32 $_scs_section_size  }
0x9a: {  	s4 =	simm.s32 $_size__tile_overlayer_lowered;
	s5 =	simm.s32 $_tile_overlayer_lowered  }
0x9b: {  	s22 =	simm.s32 $0x1BFF;
	s21 =	sshll.u32 s5, $0x1;
	s2 =	sadd.s32 s19, s18  }
0x9c: {  	s6 =	simm.s32 $0x0;
	s20 =	sshll.u32 s4, $0x1;
	s4 =	sadd.s32 s21, s2  }
0x9d: {  	[timem:s6], [sflag:s22] =	dma.local [hbm:s4], s20  }
0x9e: {  	_ =	swait.ge [sflag:s22], s20  }
0x9f: {  	s3 =	ssub.s32 $0x0, s20;
	[sflag:s22] =	ssyncset.done $0x0  }
0xa0: {  	[sflag:s22] =	ssyncadd.s32 s3;
	_ =	sdelay $0x1  }
0xa1: {  	s23 =	simm.s32 $0x1B8B  }
0xa2: {  	_ =	swait.ge [sflag:s23], $0x1  }
0xa3: {  	[sflag:s23] =	ssyncset.done $0x0  }
0xa4: {  	s25 =	simm.s32 $0x1B8E;
	s24 =	sld [smem:$0x3FFE];
	[sflag:s23] =	ssyncadd.s32 $0xFFFFFFFF  }
0xa5: {  	s26 =	simm.s32 $execute0_lowered;
	[smem:$0x3FD2] =	sst s25  }
0xa6: {  	s4 =	sshll.u32 s26, $0x1;
	_ =	strace $0x80000046;
	[dreg:$0x1] =	wrdreg $0xFFFFFFFF  }
0xa7: {  	s28 =	simm.s32 $_size_execute0_lowered;
	s2 =	sadd.s32 s2, s4;
	[dreg:$0x0] =	wrdreg $0x0  }
0xa8: {  	s4 =	sshll.u32 s28, $0x1;
	[dreg:$0x2] =	wrdreg s2  }
0xa9: {  	[dreg:$0x3] =	wrdreg s4  }
0xaa: {  	[dreg:$0x4] =	wrdreg $0xC0  }
0xab: {  	_ =	task [dreg:s6], $0x5FFFF  }
0xac: {  	[dreg:$0x1] =	wrdreg $0xFFFFFFFF  }
0xad: {  	[dreg:$0x0] =	wrdreg $0x60  }
0xae: {  	[dreg:$0x2] =	wrdreg s24  }
0xaf: {  	[dreg:$0x3] =	wrdreg $0x9  }
0xb0: {  	_ =	task.clear_ibuf [dreg:s6], $0x4FFFF;
	_ =	strace $0x90000046  }
0xb1: {  	s29 =	simm.s32 $0x9;
	_ =	strace $0x80000048  }
0xb2: {  	_ =	swait.ge [sflag:s29], $0x1  }
0xb3: {  	[sflag:s29] =	ssyncadd.s32 $0xFFFFFFFF  }
0xb4: {  	_ =	strace $0x90000048  }
0xb5: {  	_ =	sfence  }
0xb6: {  	s30 =	sld [smem:$0x0];
	_ =	sdelay $0x2  }
0xb7: {  	s31 =	sshll.u32 s1, $0xD;
	s1 =	sshrl.u32 s1, $0x2  }
0xb8: {  	s3 =	sand.u32 $0x4000, s31;
	s1 =	sadd.s32 s1, s30  }
0xb9: {  	s0 =	sor.u32 s3, s0;
	s1 =	sshll.u32 s1, $0x11  }
0xba: {  	s0 =	sor.u32 s1, s0  }
0xbb: {  	s0 =	sadd.s32 $0x8F2B, s0  }
0xbc: {  	[sflag:s0] =	ssyncadd.remote.s32 $0x1  }
0xbd: {  	_ =	sfence.sel $0xFFFF  }
0xbe: {  	[dreg:$0x0] =	wrdreg $0xFFFFFFFF;
	(pc) =	sbr.abs _section_cstart, $3  }
0xbf: {  	[dreg:$0x1] =	wrdreg $0xFFFFFFFF  }
0xc0: {  	_ =	task.clear_ibuf [dreg:s6], $0x2FFFF;
	_ =	strace $0x9FFFFFFF  }
0xc1: {  	(tm) =	ssettm $0x7FFFFFFF  }
tec
execute0_lowered:
.L_overlay_start_1:
0x0: {  	(tag) =	ssettag $0x1  }
0x1: {  	s1 =	stileid.u32  }
0x2: {  	p0 =	sgt.u32 s1, $0x1  }
.Ltmp0:
0x3: {  	_ = 	snop;
	(pc) =	sbr.rel @p0 .LBB2_19-.Ltmp0, $4  }
0x4: {  	_ = 	snop  }
0x5: {  	s3 =	rddreg [dreg:$0x0];
	s2 =	simm.s32 $0x0  }
0x6: {  	[smem:$0x7FF] =	sst s2  }
0x7: {  	s0 =	rddreg [dreg:$0x1];
	_ =	strace $0x80000047  }
0x8: {  	s4 =	srdreg.scid  }
0x9: {  	s5 =	sshll.u32 s1, $0x5;
	s4 =	sand.u32 $0x1, s4  }
.Ltmp1:
0xa: {  	s6 =	sshll.u32 s4, $0x4;
	s4 =	ssub.s32 $0x2, s4;
	(pc) =	sbr.rel .LBB2_2-.Ltmp1, $4  }
0xb: {  	s8 =	sadd.s32 $0x1C00, s3;
	s5 =	sor.u32 s6, s5;
	s7 =	sshrl.u32 s4, $0x1  }
0xc: {  	s9 =	simm.s32 $0x2000;
	s6 =	sadd.s32 s5, s3;
	s31 =	ssub.s32 s4, s7  }
0xd: {  	v0 =	vlaneseq.u32;
	s4 =	sadd.s32 s8, s5;
	s7 =	simm.s32 $0x200;
	s8 =	simm.s32 $0x1  }
0xe: {  	v1 =	vimm.s32 $0x0;
	v2 =	vmul.u32 $0xFFFFFFFF, v0;
	s3 =	sadd.s32 $0x2C00, s6;
	s5 =	smax.u32 s31, $0x1;
	s6 =	simm.s32 $0x80  }
.LBB2_18:
0xf: {  	s2 =	sadd.s32 $0x1, s2  }
0x10: {  	p0 =	sne.s32 s2, s5  }
.Ltmp2:
0x11: {  	_ = 	snop;
	(pc) =	sbr.rel @!p0 .LBB2_19-.Ltmp2, $4  }
0x12: {  	[hbm4b:s3+s6] =	stream.strided.scatter [tilespmem:s9], [sflag:$0x1], $0x2000, s7, s6, $0x38;
	[tilespmem:$0x4000] =	vst v63  }
0x13: {  	_ =	swait.ge [sflag:s8], $0x2000  }
0x14: {  	[sflag:s8] =	ssyncset.done $0x0  }
0x15: {  	[sflag:s8] =	ssyncadd.s32 $0xFFFFE000  }
.LBB2_2:
0x16: {  	s10 =	simm.s32 $0x0  }
0x17: {  	[tilespmem:s10], [sflag:$0x1] =	stream.strided.gather [hbm4b:s4+s6], $0x2000, s7, s6, $0x38;
	[tilespmem:$0x4000] =	vst v63  }
0x18: {  	_ =	swait.ge [sflag:s8], $0x2000  }
0x19: {  	[sflag:s8] =	ssyncset.done $0x0  }
0x1a: {  	s11 =	simm.s32 $0x0;
	[sflag:s8] =	ssyncadd.s32 $0xFFFFE000  }
0x1b: {  	v3 =	vld [tilespmem:s11+$0x0]  }
0x1c: {  	v4 =	vld [tilespmem:s11+$0x10]  }
0x1d: {  	v5 =	vld [tilespmem:s11+$0x20]  }
0x1e: {  	v6 =	vld [tilespmem:s11+$0x30]  }
0x1f: {  	s10 =	simm.s32 $0x40  }
0x20: {  	v9 =	vld [tilespmem:s10+$0x10]  }
0x21: {  	vm0 =	veq.s32 v3, $0x7F800000  }
0x22: {  	v7 =	vld [tilespmem:s10+$0x0];
	vm1 =	vne.s32 v3, $0x7F800000;
	vm2 =	vne.s32 v4, $0x7F800000;
	vm3 =	vne.s32 v5, $0x7F800000  }
0x23: {  	vm4 =	vne.s32 v6, $0x7F800000;
	v3 =	vmpcnt.ones.xlane vm0;
	vm0 =	veq.s32 v4, $0x7F800000  }
0x24: {  	v11 =	vsel vm2, $0x1, v1;
	v8 =	vmpcnt.ones.xlane vm0;
	vm0 =	veq.s32 v5, $0x7F800000  }
0x25: {  	v4 =	vld [tilespmem:s10+$0x20];
	vm2 =	veq.s32 v9, $0x7F800000;
	v3 =	vadd.s32 v1, v3;
	v5 =	vmpcnt.ones.xlane vm0  }
0x26: {  	vm0 =	veq.s32 v6, $0x7F800000;
	v6 =	vsel vm1, $0x1, v1;
	v8 =	vadd.s32 v8, v3;
	v3 =	vld [tilespmem:s10+$0x30]  }
0x27: {  	vm1 =	veq.s32 v7, $0x7F800000;
	v10 =	vmpcnt.ones.xlane vm0;
	[tilespmem:s11+$0x2000] =	vst v6;
	v6 =	vsel vm4, $0x1, v1  }
0x28: {  	vm0 =	vne.s32 v7, $0x7F800000;
	[tilespmem:s11+$0x2010] =	vst v11;
	v5 =	vadd.s32 v5, v8;
	v8 =	vsel vm3, $0x1, v1  }
0x29: {  	s12 =	simm.s32 $0x80;
	s13 =	simm.s32 $0x300;
	v7 =	vmpcnt.ones.xlane vm1;
	vm1 =	vne.s32 v9, $0x7F800000;
	v5 =	vadd.s32 v10, v5;
	[tilespmem:s11+$0x2020] =	vst v8  }
.LBB2_3:
0x2a: {  	p0 =	sne.s32 s13, $0x7F00;
	v8 =	vld [tilespmem:s12+$0x0];
	v9 =	vmpcnt.ones.xlane vm2;
	vm2 =	veq.s32 v4, $0x7F800000;
	vm3 =	vne.s32 v4, $0x7F800000;
	[tilespmem:s11+$0x2030] =	vst v6;
	s11 =	smov.u32 s10;
	s10 =	smov.u32 s12  }
0x2b: {  	v10 =	vld [tilespmem:s10+$0x10];
	v5 =	vadd.s32 v5, v7;
	v6 =	vmpcnt.ones.xlane vm2;
	vm2 =	veq.s32 v3, $0x7F800000  }
.Ltmp3:
0x2c: {  	vm4 =	vne.s32 v3, $0x7F800000;
	v4 =	vld [tilespmem:s10+$0x20];
	v5 =	vadd.s32 v9, v5;
	v7 =	vmpcnt.ones.xlane vm2;
	(pc) =	sbr.rel @p0 .LBB2_3-.Ltmp3, $4  }
0x2d: {  	v11 =	vsel vm1, $0x1, v1;
	v9 =	vsel vm0, $0x1, v1;
	v3 =	vld [tilespmem:s10+$0x30];
	v5 =	vadd.s32 v6, v5  }
0x2e: {  	v6 =	vsel vm4, $0x1, v1;
	[tilespmem:s11+$0x2000] =	vst v9;
	v9 =	vsel vm3, $0x1, v1;
	v5 =	vadd.s32 v7, v5  }
0x2f: {  	vm1 =	veq.s32 v8, $0x7F800000;
	vm0 =	vne.s32 v8, $0x7F800000;
	[tilespmem:s11+$0x2010] =	vst v11  }
0x30: {  	s12 =	sshra.s32 s13, $0x2;
	s13 =	sadd.s32 $0x100, s13;
	v7 =	vmpcnt.ones.xlane vm1;
	vm2 =	veq.s32 v10, $0x7F800000;
	vm1 =	vne.s32 v10, $0x7F800000;
	[tilespmem:s11+$0x2020] =	vst v9  }
0x31: {  	v8 =	vld [tilespmem:s12+$0x0];
	[tilespmem:s11+$0x2030] =	vst v6  }
0x32: {  	v6 =	vld [tilespmem:s12+$0x10]  }
0x33: {  	v9 =	vld [tilespmem:s12+$0x20]  }
0x34: {  	v10 =	vmpcnt.ones.xlane vm2;
	vm4 =	veq.s32 v4, $0x7F800000;
	v11 =	vld [tilespmem:s12+$0x30]  }
0x35: {  	v5 =	vadd.s32 v5, v7;
	v53 =	vmpcnt.ones.xlane vm4;
	vm5 =	veq.s32 v3, $0x7F800000  }
0x36: {  	v5 =	vadd.s32 v10, v5;
	v54 =	vmpcnt.ones.xlane vm5;
	vm6 =	veq.s32 v8, $0x7F800000  }
0x37: {  	v5 =	vadd.s32 v53, v5;
	v55 =	vmpcnt.ones.xlane vm6;
	vm7 =	veq.s32 v6, $0x7F800000  }
0x38: {  	v5 =	vadd.s32 v54, v5;
	vm8 =	veq.s32 v9, $0x7F800000;
	v56 =	vmpcnt.ones.xlane vm7  }
0x39: {  	vm9 =	veq.s32 v11, $0x7F800000;
	v57 =	vmpcnt.ones.xlane vm8;
	v5 =	vadd.s32 v5, v55  }
0x3a: {  	v58 =	vmpcnt.ones.xlane vm9;
	v5 =	vadd.s32 v56, v5  }
0x3b: {  	v5 =	vadd.s32 v57, v5  }
0x3c: {  	v5 =	vadd.s32 v58, v5  }
0x3d: {  	(v2sf) =	vpush v5, $0x0;
	_ =	sdelay $0xb  }
0x3e: {  	v59 =	vsel vm0, $0x1, v1  }
0x3f: {  	vm10 =	vne.s32 v4, $0x7F800000;
	v60 =	vsel vm1, $0x1, v1;
	[tilespmem:s10+$0x2000] =	vst v59  }
0x40: {  	vm11 =	vne.s32 v3, $0x7F800000;
	v3 =	vsel vm10, $0x1, v1;
	[tilespmem:s10+$0x2010] =	vst v60  }
0x41: {  	v61 =	vsel vm11, $0x1, v1;
	[tilespmem:s10+$0x2020] =	vst v3;
	s31 =	spop (v2sf)  }
0x42: {  	[tilespmem:s10+$0x2030] =	vst v61;
	s10 =	ssub.s32 $0x666, s31  }
0x43: {  	vm12 =	vne.s32 v8, $0x7F800000;
	p0 =	slt.s32 s10, $0x1  }
.Ltmp4:
0x44: {  	vm13 =	vne.s32 v6, $0x7F800000;
	v3 =	vsel vm12, $0x1, v1;
	(pc) =	sbr.rel @p0 .LBB2_18-.Ltmp4, $4  }
0x45: {  	vm14 =	vne.s32 v9, $0x7F800000;
	v62 =	vsel vm13, $0x1, v1;
	[tilespmem:s12+$0x2000] =	vst v3  }
0x46: {  	vm15 =	vne.s32 v11, $0x7F800000;
	v3 =	vsel vm14, $0x1, v1;
	[tilespmem:s12+$0x2010] =	vst v62  }
0x47: {  	v63 =	vsel vm15, $0x1, v1;
	[tilespmem:s12+$0x2020] =	vst v3  }
0x48: {  	[tilespmem:s12+$0x2030] =	vst v63  }
0x49: {  	v4 =	vmov s10;
	s10 =	simm.s32 $0x0;
	v5 =	vimm.s32 $0x3F000001;
	v3 =	vimm.s32 $0x3F800000  }
.LBB2_6:
0x4a: {  	s11 =	simm.s32 $0x0  }
0x4b: {  	v7 =	vld [tilespmem:s11+$0x0]  }
0x4c: {  	v8 =	vld [tilespmem:s11+$0x10]  }
0x4d: {  	v9 =	vld [tilespmem:s11+$0x20]  }
0x4e: {  	v6 =	vadd.s32 v5, v3;
	v10 =	vld [tilespmem:s11+$0x30]  }
0x4f: {  	v6 =	vshra.s32 v6, $0x1  }
0x50: {  	s12 =	simm.s32 $0x40;
	vm0 =	vle.s32 v7, v6  }
0x51: {  	vm13 =	vle.s32 v8, v6;
	v7 =	vld [tilespmem:s12+$0x0];
	v11 =	vmpcnt.ones.xlane vm0  }
0x52: {  	v12 =	vimm.s32 $0x0;
	vm14 =	vle.s32 v9, v6;
	v8 =	vld [tilespmem:s12+$0x10];
	v13 =	vmpcnt.ones.xlane vm13  }
0x53: {  	v9 =	vld [tilespmem:s12+$0x20];
	vm15 =	vle.s32 v10, v6;
	v11 =	vadd.s32 v12, v11;
	v12 =	vmpcnt.ones.xlane vm14  }
0x54: {  	v10 =	vld [tilespmem:s12+$0x30];
	v13 =	vadd.s32 v13, v11;
	v11 =	vmpcnt.ones.xlane vm15  }
0x55: {  	s11 =	simm.s32 $0x200;
	v12 =	vadd.s32 v12, v13  }
.LBB2_7:
0x56: {  	s12 =	sshra.s32 s11, $0x2;
	p0 =	sne.s32 s11, $0x7F00;
	s11 =	sadd.s32 $0x100, s11;
	vm0 =	vle.s32 v7, v6;
	v11 =	vadd.s32 v11, v12  }
.Ltmp5:
0x57: {  	v7 =	vld [tilespmem:s12+$0x0];
	v12 =	vmpcnt.ones.xlane vm0;
	vm0 =	vle.s32 v8, v6;
	(pc) =	sbr.rel @p0 .LBB2_7-.Ltmp5, $4  }
0x58: {  	v8 =	vld [tilespmem:s12+$0x10];
	v13 =	vmpcnt.ones.xlane vm0;
	vm0 =	vle.s32 v9, v6  }
0x59: {  	v9 =	vld [tilespmem:s12+$0x20];
	v11 =	vadd.s32 v11, v12;
	v12 =	vmpcnt.ones.xlane vm0;
	vm0 =	vle.s32 v10, v6  }
0x5a: {  	v10 =	vld [tilespmem:s12+$0x30];
	v13 =	vadd.s32 v13, v11;
	v11 =	vmpcnt.ones.xlane vm0  }
0x5b: {  	v12 =	vadd.s32 v12, v13  }
0x5c: {  	vm0 =	vle.s32 v7, v6  }
0x5d: {  	v7 =	vmpcnt.ones.xlane vm0;
	vm12 =	vle.s32 v8, v6  }
0x5e: {  	v60 =	vadd.s32 v11, v12;
	s10 =	sadd.s32 $0x1, s10;
	v61 =	vmpcnt.ones.xlane vm12;
	vm13 =	vle.s32 v9, v6  }
0x5f: {  	p0 =	sne.s32 s10, $0x18;
	v7 =	vadd.s32 v60, v7;
	v62 =	vmpcnt.ones.xlane vm13;
	vm14 =	vle.s32 v10, v6  }
.Ltmp6:
0x60: {  	v7 =	vadd.s32 v61, v7;
	v63 =	vmpcnt.ones.xlane vm14;
	(pc) =	sbr.rel @p0 .LBB2_6-.Ltmp6, $4  }
0x61: {  	v7 =	vadd.s32 v62, v7  }
0x62: {  	v7 =	vadd.s32 v63, v7  }
0x63: {  	vm15 =	vlt.s32 v7, v4;
	v7 =	vadd.s32 $0x1, v6  }
0x64: {  	v5 =	vsel vm15, v7, v5;
	v3 =	vsel vm15, v3, v6  }
0x65: {  	s10 =	simm.s32 $0x0  }
0x66: {  	v6 =	vld [tilespmem:s10+$0x0]  }
0x67: {  	v7 =	vld [tilespmem:s10+$0x10]  }
0x68: {  	v8 =	vld [tilespmem:s10+$0x20]  }
0x69: {  	v9 =	vld [tilespmem:s10+$0x30]  }
0x6a: {  	v5 =	vadd.s32 $0xFFFFFFFF, v3  }
0x6b: {  	s11 =	simm.s32 $0x40;
	vm0 =	vle.s32 v6, v5  }
0x6c: {  	vm13 =	vle.s32 v7, v5;
	v6 =	vld [tilespmem:s11+$0x0];
	v10 =	vmpcnt.ones.xlane vm0  }
0x6d: {  	v11 =	vimm.s32 $0x0;
	vm14 =	vle.s32 v8, v5;
	v7 =	vld [tilespmem:s11+$0x10];
	v12 =	vmpcnt.ones.xlane vm13  }
0x6e: {  	v8 =	vld [tilespmem:s11+$0x20];
	vm15 =	vle.s32 v9, v5;
	v10 =	vadd.s32 v11, v10;
	v11 =	vmpcnt.ones.xlane vm14  }
0x6f: {  	v9 =	vld [tilespmem:s11+$0x30];
	v12 =	vadd.s32 v12, v10;
	v10 =	vmpcnt.ones.xlane vm15  }
0x70: {  	s10 =	simm.s32 $0x200;
	v11 =	vadd.s32 v11, v12  }
.LBB2_10:
0x71: {  	s11 =	sshra.s32 s10, $0x2;
	p0 =	sne.s32 s10, $0x7F00;
	s10 =	sadd.s32 $0x100, s10;
	vm0 =	vle.s32 v6, v5;
	v10 =	vadd.s32 v10, v11  }
.Ltmp7:
0x72: {  	v6 =	vld [tilespmem:s11+$0x0];
	v11 =	vmpcnt.ones.xlane vm0;
	vm0 =	vle.s32 v7, v5;
	(pc) =	sbr.rel @p0 .LBB2_10-.Ltmp7, $4  }
0x73: {  	v7 =	vld [tilespmem:s11+$0x10];
	v12 =	vmpcnt.ones.xlane vm0;
	vm0 =	vle.s32 v8, v5  }
0x74: {  	v8 =	vld [tilespmem:s11+$0x20];
	v10 =	vadd.s32 v10, v11;
	v11 =	vmpcnt.ones.xlane vm0;
	vm0 =	vle.s32 v9, v5  }
0x75: {  	v9 =	vld [tilespmem:s11+$0x30];
	v12 =	vadd.s32 v12, v10;
	v10 =	vmpcnt.ones.xlane vm0  }
0x76: {  	v11 =	vadd.s32 v11, v12  }
0x77: {  	vm0 =	vle.s32 v6, v5  }
0x78: {  	v6 =	vmpcnt.ones.xlane vm0;
	vm13 =	vle.s32 v7, v5  }
0x79: {  	v7 =	vadd.s32 v10, v11;
	v63 =	vmpcnt.ones.xlane vm13;
	vm14 =	vle.s32 v8, v5  }
0x7a: {  	v6 =	vadd.s32 v7, v6;
	v7 =	vmpcnt.ones.xlane vm14;
	vm15 =	vle.s32 v9, v5  }
0x7b: {  	v5 =	vadd.s32 v63, v6;
	v6 =	vmpcnt.ones.xlane vm15  }
0x7c: {  	v5 =	vadd.s32 v7, v5  }
0x7d: {  	v5 =	vadd.s32 v6, v5  }
0x7e: {  	s10 =	simm.s32 $0x0;
	s11 =	simm.s32 $0x0;
	v6 =	vimm.s32 $0x0;
	v5 =	vsub.s32 v4, v5;
	v4 =	vimm.s32 $0x1FFF  }
.LBB2_12:
0x7f: {  	s12 =	simm.s32 $0x20  }
0x80: {  	v9 =	vld [tilespmem:s12+$0xFFFFFFE0]  }
0x81: {  	v10 =	vld [tilespmem:s12+$0xFFFFFFF0]  }
0x82: {  	v7 =	vadd.s32 v6, v4  }
0x83: {  	s13 =	simm.s32 $0x20;
	s14 =	simm.s32 $0x30;
	v12 =	vmov s10;
	v7 =	vshra.s32 v7, $0x1;
	v11 =	vld [tilespmem:s12+$0x0]  }
0x84: {  	s15 =	simm.s32 $0x10;
	v13 =	vmov s13;
	v14 =	vld [tilespmem:s12+$0x10];
	v15 =	vmov s14;
	v8 =	vadd.s32 v2, v7  }
0x85: {  	vm0 =	vle.s32 v12, v8;
	v12 =	vmov s15;
	vm2 =	vle.s32 v13, v8  }
0x86: {  	vm4 =	vle.s32 v12, v8;
	vm1 =	veq.s32 v9, v3;
	vm3 =	veq.s32 v10, v3  }
0x87: {  	vm1 =	vmand vm0, vm1;
	vm0 =	vle.s32 v15, v8;
	vm3 =	vmand vm4, vm3  }
0x88: {  	s12 =	simm.s32 $0x60;
	v12 =	vmpcnt.ones.xlane vm1;
	vm1 =	veq.s32 v11, v3;
	v10 =	vmpcnt.ones.xlane vm3  }
0x89: {  	s13 =	simm.s32 $0x40;
	s14 =	simm.s32 $0x80;
	v9 =	vld [tilespmem:s12+$0xFFFFFFE0];
	v11 =	vimm.s32 $0x0;
	vm1 =	vmand vm2, vm1;
	vm2 =	veq.s32 v14, v3  }
.LBB2_13:
0x8a: {  	p0 =	sne.s32 s14, $0x1FC0;
	v13 =	vld [tilespmem:s12+$0xFFFFFFF0];
	v11 =	vadd.s32 v11, v12;
	v12 =	vmpcnt.ones.xlane vm1;
	vm0 =	vmand vm0, vm2  }
0x8b: {  	v14 =	vmov s13;
	s15 =	sadd.s32 $0x20, s13;
	s16 =	sadd.s32 $0x30, s13;
	v15 =	vld [tilespmem:s12+$0x0];
	v10 =	vadd.s32 v10, v11;
	v11 =	vmpcnt.ones.xlane vm0  }
0x8c: {  	s17 =	sadd.s32 $0x10, s13;
	s13 =	smov.u32 s14;
	v16 =	vmov s15;
	v18 =	vmov s16;
	v17 =	vld [tilespmem:s12+$0x10];
	v10 =	vadd.s32 v12, v10  }
.Ltmp8:
0x8d: {  	vm1 =	vle.s32 v14, v8;
	v12 =	vmov s17;
	v11 =	vadd.s32 v11, v10;
	(pc) =	sbr.rel @p0 .LBB2_13-.Ltmp8, $4  }
0x8e: {  	vm3 =	vle.s32 v16, v8;
	vm0 =	vle.s32 v18, v8;
	vm2 =	veq.s32 v9, v3  }
0x8f: {  	vm4 =	vle.s32 v12, v8;
	vm1 =	vmand vm1, vm2;
	vm2 =	veq.s32 v13, v3  }
0x90: {  	s12 =	sadd.s32 $0x40, s12;
	v12 =	vmpcnt.ones.xlane vm1;
	vm1 =	vmand vm4, vm2;
	vm2 =	veq.s32 v15, v3  }
0x91: {  	s14 =	sadd.s32 $0x40, s14;
	v9 =	vld [tilespmem:s12+$0xFFFFFFE0];
	v10 =	vmpcnt.ones.xlane vm1;
	vm1 =	vmand vm3, vm2;
	vm2 =	veq.s32 v17, v3  }
0x92: {  	v13 =	vld [tilespmem:s12+$0xFFFFFFF0];
	v11 =	vadd.s32 v11, v12;
	v58 =	vmpcnt.ones.xlane vm1;
	vm0 =	vmand vm0, vm2  }
0x93: {  	v14 =	vmov s13;
	s14 =	sadd.s32 $0x20, s13;
	v15 =	vld [tilespmem:s12+$0x0];
	s15 =	sadd.s32 $0x30, s13;
	v10 =	vadd.s32 v10, v11;
	v59 =	vmpcnt.ones.xlane vm0  }
0x94: {  	s31 =	sadd.s32 $0x10, s13;
	v17 =	vld [tilespmem:s12+$0x10];
	v16 =	vmov s14;
	v18 =	vmov s15;
	vm6 =	vle.s32 v14, v8  }
0x95: {  	v60 =	vmov s31;
	v10 =	vadd.s32 v58, v10;
	vm8 =	vle.s32 v16, v8  }
0x96: {  	vm3 =	vle.s32 v18, v8;
	vm4 =	vle.s32 v60, v8;
	vm7 =	veq.s32 v9, v3  }
0x97: {  	v10 =	vadd.s32 v59, v10;
	vm0 =	vmand vm6, vm7;
	vm9 =	veq.s32 v13, v3  }
0x98: {  	vm11 =	veq.s32 v15, v3;
	v8 =	vmpcnt.ones.xlane vm0;
	vm10 =	vmand vm4, vm9  }
0x99: {  	s11 =	sadd.s32 $0x1, s11;
	vm13 =	veq.s32 v17, v3;
	vm12 =	vmand vm8, vm11;
	v61 =	vmpcnt.ones.xlane vm10  }
0x9a: {  	p0 =	sne.s32 s11, $0xE;
	vm14 =	vmand vm3, vm13;
	v62 =	vmpcnt.ones.xlane vm12;
	v8 =	vadd.s32 v10, v8  }
.Ltmp9:
0x9b: {  	v63 =	vmpcnt.ones.xlane vm14;
	v8 =	vadd.s32 v61, v8;
	(pc) =	sbr.rel @p0 .LBB2_12-.Ltmp9, $4  }
0x9c: {  	v8 =	vadd.s32 v62, v8  }
0x9d: {  	v8 =	vadd.s32 v63, v8  }
0x9e: {  	vm15 =	vlt.s32 v8, v5;
	v8 =	vadd.s32 $0x1, v7  }
0x9f: {  	v6 =	vsel vm15, v8, v6;
	v4 =	vsel vm15, v4, v7  }
0xa0: {  	s11 =	simm.s32 $0x20  }
0xa1: {  	v6 =	vld [tilespmem:s11+$0xFFFFFFE0];
	_ =	sdelay $0x2  }
0xa2: {  	s12 =	simm.s32 $0x0;
	s10 =	simm.s32 $0x2020  }
0xa3: {  	v7 =	vld [tilespmem:s10+$0xFFFFFFE0];
	v8 =	vor.u32 s12, v0  }
0xa4: {  	vm2 =	vle.s32 v8, v4;
	vm1 =	veq.s32 v6, v3  }
0xa5: {  	vm0 =	vgt.s32 v5, $0x0;
	vm1 =	vmand vm2, vm1  }
0xa6: {  	vm2 =	vlt.s32 v6, v3;
	vm1 =	vmand vm0, vm1  }
0xa7: {  	vm1 =	vmor vm2, vm1  }
0xa8: {  	v5 =	vsel vm1, $0x0, v7  }
0xa9: {  	[tilespmem:s10+$0xFFFFFFE0] =	vst v5  }
0xaa: {  	v5 =	vld [tilespmem:s11+$0xFFFFFFF0];
	_ =	sdelay $0x2  }
0xab: {  	s29 =	simm.s32 $0x10  }
0xac: {  	v6 =	vld [tilespmem:s10+$0xFFFFFFF0];
	v7 =	vor.u32 s29, v0  }
0xad: {  	vm2 =	vle.s32 v7, v4;
	vm1 =	veq.s32 v5, v3  }
0xae: {  	vm1 =	vmand vm2, vm1  }
0xaf: {  	vm2 =	vlt.s32 v5, v3;
	vm1 =	vmand vm0, vm1  }
0xb0: {  	vm1 =	vmor vm2, vm1  }
0xb1: {  	v5 =	vsel vm1, $0x0, v6  }
0xb2: {  	[tilespmem:s10+$0xFFFFFFF0] =	vst v5  }
0xb3: {  	v5 =	vld [tilespmem:s11+$0x0];
	_ =	sdelay $0x2  }
0xb4: {  	s30 =	simm.s32 $0x20  }
0xb5: {  	v7 =	vor.u32 s30, v0;
	v6 =	vld [tilespmem:s10+$0x0]  }
0xb6: {  	vm2 =	vle.s32 v7, v4;
	vm1 =	veq.s32 v5, v3  }
0xb7: {  	vm1 =	vmand vm2, vm1  }
0xb8: {  	vm2 =	vlt.s32 v5, v3;
	vm1 =	vmand vm0, vm1  }
0xb9: {  	vm1 =	vmor vm2, vm1  }
0xba: {  	v5 =	vsel vm1, $0x0, v6  }
0xbb: {  	[tilespmem:s10+$0x0] =	vst v5  }
0xbc: {  	v5 =	vld [tilespmem:s11+$0x10];
	_ =	sdelay $0x2  }
0xbd: {  	s31 =	simm.s32 $0x30  }
0xbe: {  	v7 =	vor.u32 s31, v0;
	v6 =	vld [tilespmem:s10+$0x10]  }
0xbf: {  	vm2 =	vle.s32 v7, v4;
	vm1 =	veq.s32 v5, v3  }
0xc0: {  	vm1 =	vmand vm2, vm1  }
0xc1: {  	vm2 =	vlt.s32 v5, v3;
	vm1 =	vmand vm0, vm1  }
0xc2: {  	vm1 =	vmor vm2, vm1  }
0xc3: {  	v5 =	vsel vm1, $0x0, v6  }
0xc4: {  	s11 =	simm.s32 $0x60;
	[tilespmem:s10+$0x10] =	vst v5  }
0xc5: {  	s13 =	simm.s32 $0x80;
	s12 =	simm.s32 $0x40;
	v5 =	vld [tilespmem:s11+$0xFFFFFFE0]  }
.LBB2_16:
0xc6: {  	p0 =	sne.s32 s13, $0x1FC0;
	_ =	sdelay $0x1  }
0xc7: {  	s10 =	sadd.s32 $0x40, s10  }
0xc8: {  	v7 =	vor.u32 s12, v0;
	v6 =	vld [tilespmem:s10+$0xFFFFFFE0]  }
0xc9: {  	vm2 =	vle.s32 v7, v4;
	vm1 =	veq.s32 v5, v3  }
0xca: {  	vm1 =	vmand vm2, vm1  }
0xcb: {  	vm2 =	vlt.s32 v5, v3;
	vm1 =	vmand vm0, vm1  }
0xcc: {  	vm1 =	vmor vm2, vm1  }
0xcd: {  	v5 =	vsel vm1, $0x0, v6  }
0xce: {  	[tilespmem:s10+$0xFFFFFFE0] =	vst v5  }
0xcf: {  	v5 =	vld [tilespmem:s11+$0xFFFFFFF0];
	_ =	sdelay $0x2  }
0xd0: {  	s14 =	sadd.s32 $0x10, s12  }
0xd1: {  	v7 =	vor.u32 s14, v0;
	v6 =	vld [tilespmem:s10+$0xFFFFFFF0]  }
0xd2: {  	vm2 =	vle.s32 v7, v4;
	vm1 =	veq.s32 v5, v3  }
0xd3: {  	vm1 =	vmand vm2, vm1  }
0xd4: {  	vm2 =	vlt.s32 v5, v3;
	vm1 =	vmand vm0, vm1  }
0xd5: {  	vm1 =	vmor vm2, vm1  }
0xd6: {  	v5 =	vsel vm1, $0x0, v6  }
0xd7: {  	[tilespmem:s10+$0xFFFFFFF0] =	vst v5  }
0xd8: {  	v5 =	vld [tilespmem:s11+$0x0];
	_ =	sdelay $0x2  }
0xd9: {  	s14 =	sadd.s32 $0x20, s12  }
0xda: {  	v7 =	vor.u32 s14, v0;
	v6 =	vld [tilespmem:s10+$0x0]  }
0xdb: {  	vm2 =	vle.s32 v7, v4;
	vm1 =	veq.s32 v5, v3  }
0xdc: {  	vm1 =	vmand vm2, vm1  }
0xdd: {  	vm2 =	vlt.s32 v5, v3;
	vm1 =	vmand vm0, vm1  }
0xde: {  	vm1 =	vmor vm2, vm1  }
0xdf: {  	v5 =	vsel vm1, $0x0, v6  }
0xe0: {  	[tilespmem:s10+$0x0] =	vst v5  }
0xe1: {  	v5 =	vld [tilespmem:s11+$0x10];
	_ =	sdelay $0x2  }
0xe2: {  	s14 =	sadd.s32 $0x30, s12;
	s12 =	smov.u32 s13  }
0xe3: {  	v7 =	vor.u32 s14, v0;
	v6 =	vld [tilespmem:s10+$0x10]  }
0xe4: {  	vm2 =	vle.s32 v7, v4;
	vm1 =	veq.s32 v5, v3  }
0xe5: {  	vm1 =	vmand vm2, vm1  }
.Ltmp10:
0xe6: {  	vm2 =	vlt.s32 v5, v3;
	vm1 =	vmand vm0, vm1;
	(pc) =	sbr.rel @p0 .LBB2_16-.Ltmp10, $4  }
0xe7: {  	vm1 =	vmor vm2, vm1  }
0xe8: {  	v5 =	vsel vm1, $0x0, v6  }
0xe9: {  	s11 =	sadd.s32 $0x40, s11;
	[tilespmem:s10+$0x10] =	vst v5  }
0xea: {  	s13 =	sadd.s32 $0x40, s13;
	v5 =	vld [tilespmem:s11+$0xFFFFFFE0]  }
0xeb: {  	_ =	sdelay $0x1  }
0xec: {  	s10 =	sadd.s32 $0x40, s10  }
0xed: {  	v7 =	vor.u32 s12, v0;
	v6 =	vld [tilespmem:s10+$0xFFFFFFE0]  }
0xee: {  	vm2 =	vle.s32 v7, v4;
	vm1 =	veq.s32 v5, v3  }
0xef: {  	vm1 =	vmand vm2, vm1  }
0xf0: {  	vm5 =	vlt.s32 v5, v3;
	vm1 =	vmand vm0, vm1  }
0xf1: {  	vm1 =	vmor vm5, vm1  }
0xf2: {  	v55 =	vsel vm1, $0x0, v6  }
0xf3: {  	[tilespmem:s10+$0xFFFFFFE0] =	vst v55  }
0xf4: {  	v5 =	vld [tilespmem:s11+$0xFFFFFFF0];
	_ =	sdelay $0x2  }
0xf5: {  	s13 =	sadd.s32 $0x10, s12  }
0xf6: {  	v56 =	vld [tilespmem:s10+$0xFFFFFFF0];
	v57 =	vor.u32 s13, v0  }
0xf7: {  	vm7 =	vle.s32 v57, v4;
	vm6 =	veq.s32 v5, v3  }
0xf8: {  	vm1 =	vmand vm7, vm6  }
0xf9: {  	vm8 =	vlt.s32 v5, v3;
	vm1 =	vmand vm0, vm1  }
0xfa: {  	vm1 =	vmor vm8, vm1  }
0xfb: {  	v58 =	vsel vm1, $0x0, v56  }
0xfc: {  	[tilespmem:s10+$0xFFFFFFF0] =	vst v58  }
0xfd: {  	v5 =	vld [tilespmem:s11+$0x0];
	_ =	sdelay $0x2  }
0xfe: {  	s30 =	sadd.s32 $0x20, s12  }
0xff: {  	v59 =	vld [tilespmem:s10+$0x0];
	v60 =	vor.u32 s30, v0  }
0x100: {  	vm10 =	vle.s32 v60, v4;
	vm9 =	veq.s32 v5, v3  }
0x101: {  	vm1 =	vmand vm10, vm9  }
0x102: {  	vm11 =	vlt.s32 v5, v3;
	vm1 =	vmand vm0, vm1  }
0x103: {  	vm1 =	vmor vm11, vm1  }
0x104: {  	v61 =	vsel vm1, $0x0, v59  }
0x105: {  	[tilespmem:s10+$0x0] =	vst v61  }
0x106: {  	v5 =	vld [tilespmem:s11+$0x10];
	_ =	sdelay $0x2  }
0x107: {  	s31 =	sadd.s32 $0x30, s12  }
0x108: {  	v62 =	vld [tilespmem:s10+$0x10];
	v63 =	vor.u32 s31, v0  }
0x109: {  	vm13 =	vle.s32 v63, v4;
	vm12 =	veq.s32 v5, v3  }
.Ltmp11:
0x10a: {  	vm1 =	vmand vm13, vm12;
	(pc) =	sbr.rel .LBB2_18-.Ltmp11, $4  }
0x10b: {  	vm15 =	vlt.s32 v5, v3;
	vm14 =	vmand vm0, vm1  }
0x10c: {  	vm0 =	vmor vm15, vm14  }
0x10d: {  	v3 =	vsel vm0, $0x0, v62  }
0x10e: {  	[tilespmem:s10+$0x10] =	vst v3  }
.LBB2_19:
0x10f: {  	_ =	sfence.sel $0x180000  }
0x110: {  	[bflag:$0x0] =	sbarrier.arrive $0xFFFF  }
0x111: {  	p0 =	sne.s32 s1, $0x0;
	_ =	strace $0x90000047  }
0x112: {  	s0 =	sadd.s32 @!p0 $0x100000, s0;
	[bflag:$0x2] =	sbarrier.arrive $0xFFFF  }
0x113: {  	[sflag:s0] =	ssyncadd.tile.s32 @!p0 $0x1;
	_ =	shalt  }
.Lfunc_end2:
_tile_overlayer_lowered:
.L_overlay_start_2:
0x114: {  	(tag) =	ssettag $0x2  }
0x115: {  	s0 =	rddreg [dreg:$0x0];
	s2 =	stileid.u32  }
0x116: {  	s1 =	rddreg [dreg:$0x1];
	p0 =	sne.s32 s2, $0x0  }
0x117: {  	s3 =	rddreg [dreg:$0x2];
	[bflag:$0x3] =	sbarrier.arrive $0xFFFF;
	s2 =	simm.s32 @!p0 $0x1C01  }
0x118: {  	[timem:s3], [sflag:s2] =	dma.local @!p0 [hbm:s0], s1  }
0x119: {  	s0 =	simm.s32 @!p0 $0x1  }
0x11a: {  	_ =	swait.ge @!p0 [sflag:s0], s1  }
0x11b: {  	s1 =	ssub.s32 @!p0 $0x0, s1;
	[sflag:s0] =	ssyncset.done @!p0 $0x0  }
0x11c: {  	[sflag:s0] =	ssyncadd.s32 @!p0 s1  }
0x11d: {  	[bflag:$0x3] =	sbarrier.arrive $0xFFFF  }
0x11e: {  	_ =	shalt  }

</sc_bundles>
